<compile_context>
chip_gen: v7x
topology: tpu7x:2x2x1
jax: 0.10.2.dev20260603
libtpu: 0.0.44.dev20260713+nightly
codegen_flags: <defaults>
</compile_context>

<pallas_src>
import functools

import jax
import jax.numpy as jnp
from jax import lax
from jax.experimental import pallas as pl
from jax.experimental.pallas import tpu as pltpu
from jax.experimental.pallas import tpu_sc as plsc

NC = 2
NS = 16
NW = NC * NS
LANES = 128


def _sc_mesh():
    return plsc.VectorSubcoreMesh(core_axis_name="c", subcore_axis_name="s")


_SC_PARAMS = pltpu.CompilerParams(use_tc_tiling_on_sc=False)


def _make_degree_kernel(NP, H, S, rps):
    @functools.partial(
        pl.kernel,
        out_type=jax.ShapeDtypeStruct((NC, NP, H), jnp.float32),
        mesh=_sc_mesh(),
        compiler_params=_SC_PARAMS,
        scratch_types=[
            pltpu.VMEM((S, LANES), jnp.int32),
            pltpu.VMEM((LANES, H), jnp.float32),
            pltpu.VMEM_SHARED((NP, H), jnp.float32),
            [pltpu.SemaphoreType.DMA] * NBUF,
        ],
    )
    def deg_kernel(dst_hbm, ones_hbm, zeros_hbm, out_hbm, didx, onesv, acc, sem):
        c = lax.axis_index("c")
        s = lax.axis_index("s")
        w = c * NS + s
        pltpu.sync_copy(dst_hbm.at[w], didx)
        pltpu.sync_copy(ones_hbm, onesv)
        pltpu.sync_copy(
            zeros_hbm.at[pl.ds(s * rps, rps)], acc.at[pl.ds(s * rps, rps)]
        )
        plsc.subcore_barrier()

        for b in range(NBUF):
            pltpu.async_copy(onesv, acc.at[didx.at[b]], sem[b], add=True)

        @pl.loop(0, S, step=NBUF)
        def _(j):
            for b in range(NBUF):
                pltpu.make_async_copy(onesv, acc.at[didx.at[j + b]], sem[b]).wait()

                @pl.when(j + b + NBUF < S)
                def _():
                    pltpu.async_copy(
                        onesv, acc.at[didx.at[j + b + NBUF]], sem[b], add=True
                    )

        plsc.subcore_barrier()
        pltpu.sync_copy(
            acc.at[pl.ds(s * rps, rps)], out_hbm.at[c, pl.ds(s * rps, rps)]
        )

    return deg_kernel


NBUF = 4
CH = 16


def _make_agg_kernel(NP, H, S, rps):
    assert S % CH == 0
    nch = S // CH

    @functools.partial(
        pl.kernel,
        out_type=jax.ShapeDtypeStruct((NC, NP, H), jnp.float32),
        mesh=_sc_mesh(),
        compiler_params=_SC_PARAMS,
        scratch_types=[
            pltpu.VMEM((S // CH, CH * LANES), jnp.int32),
            pltpu.VMEM((S // CH, CH * LANES), jnp.int32),
            pltpu.VMEM((2, CH * LANES, H), jnp.float32),
            pltpu.VMEM_SHARED((NP, H), jnp.float32),
            pltpu.VMEM_SHARED((NP, H), jnp.float32),
            [pltpu.SemaphoreType.DMA] * 2,
            [pltpu.SemaphoreType.DMA] * 2,
        ],
    )
    def agg_kernel(g_hbm, src_hbm, dst_hbm, zeros_hbm, out_hbm,
                   sidx, didx, rows, gsh, acc, gsem, ssem):
        c = lax.axis_index("c")
        s = lax.axis_index("s")
        w = c * NS + s
        sl = pl.ds(s * rps, rps)
        pltpu.sync_copy(src_hbm.at[w], sidx)
        pltpu.sync_copy(dst_hbm.at[w], didx)
        pltpu.sync_copy(g_hbm.at[sl], gsh.at[sl])
        pltpu.sync_copy(zeros_hbm.at[sl], acc.at[sl])
        plsc.subcore_barrier()

        def start_gather(k):
            pltpu.async_copy(gsh.at[sidx.at[k]], rows.at[k % 2], gsem[k % 2])

        def wait_gather(k):
            pltpu.make_async_copy(gsh.at[sidx.at[k]], rows.at[k % 2],
                                  gsem[k % 2]).wait()

        def start_scatter(k):
            pltpu.async_copy(rows.at[k % 2], acc.at[didx.at[k]],
                             ssem[k % 2], add=True)

        def wait_scatter(k):
            pltpu.make_async_copy(rows.at[k % 2], acc.at[didx.at[k]],
                                  ssem[k % 2]).wait()

        start_gather(0)
        if nch > 1:
            start_gather(1)
        for k in range(nch):
            wait_gather(k)
            start_scatter(k)
            if k >= 1 and k + 1 < nch:
                wait_scatter(k - 1)
                start_gather(k + 1)
        if nch > 1:
            wait_scatter(nch - 2)
        wait_scatter(nch - 1)

        plsc.subcore_barrier()
        pltpu.sync_copy(acc.at[sl], out_hbm.at[c, sl])

    return agg_kernel


def _tc_prep(edge_index, N, NP, EP):
    E = edge_index.shape[1]

    def body(e_ref, s_ref, d_ref):
        pad = N + lax.rem(
            lax.broadcasted_iota(jnp.int32, (EP - E,), 0), NP - N
        )
        s_ref[0:E] = e_ref[0, :]
        s_ref[E:EP] = pad
        d_ref[0:E] = e_ref[1, :]
        d_ref[E:EP] = pad

    return pl.pallas_call(
        body,
        out_shape=[jax.ShapeDtypeStruct((EP,), jnp.int32)] * 2,
    )(edge_index)


def _tc_matmul1(x, W1, NP):
    N = x.shape[0]
    H = W1.shape[1]

    def body(x_ref, w_ref, h_ref):
        h_ref[N:NP, :] = jnp.zeros((NP - N, H), jnp.float32)
        h_ref[0:N, :] = jnp.dot(
            x_ref[...], w_ref[...], preferred_element_type=jnp.float32
        )

    return pl.pallas_call(
        body,
        out_shape=jax.ShapeDtypeStruct((NP, H), jnp.float32),
    )(x, W1)


def _tc_gscale(degp128, h128):
    R = h128.shape[0]

    def body(degp_ref, h_ref, g_ref):
        deg = degp_ref[0:R] + degp_ref[R:2 * R] + 1.0
        g_ref[...] = lax.rsqrt(deg) * h_ref[...]

    return pl.pallas_call(
        body,
        out_shape=jax.ShapeDtypeStruct((R, 128), jnp.float32),
    )(degp128, h128)


def _tc_mid(degp128, agg128, g1_128, b1row, NP, H):
    R = NP * H // 128

    def body(degp_ref, agg_ref, g1_ref, b1_ref, g2_ref):
        deg = degp_ref[0:R] + degp_ref[R:2 * R] + 1.0
        dinv = lax.rsqrt(deg)
        agg = agg_ref[0:R] + agg_ref[R:2 * R] + g1_ref[...]
        z = jnp.maximum(dinv * agg + b1_ref[...], 0.0)
        g2_ref[...] = dinv * z

    return pl.pallas_call(
        body,
        out_shape=jax.ShapeDtypeStruct((R, 128), jnp.float32),
    )(degp128, agg128, g1_128, b1row)


def _tc_final(degp128, agg2_128, g2_128, W2big, b2row, NP, H):
    R = NP * H // 128

    def body(degp_ref, agg_ref, g2_ref, w2b_ref, b2_ref, out_ref):
        deg = degp_ref[0:R] + degp_ref[R:2 * R] + 1.0
        dinv = lax.rsqrt(deg)
        y = dinv * (agg_ref[0:R] + agg_ref[R:2 * R] + g2_ref[...])
        out_ref[...] = (
            jnp.dot(y, w2b_ref[...], preferred_element_type=jnp.float32)
            + b2_ref[...]
        )

    return pl.pallas_call(
        body,
        out_shape=jax.ShapeDtypeStruct((R, W2big.shape[1]), jnp.float32),
    )(degp128, agg2_128, g2_128, W2big, b2row)


def kernel(x, edge_index, W1, b1, W2, b2):
    N, D = x.shape
    H = W1.shape[1]
    C = W2.shape[1]
    E = edge_index.shape[1]

    NP = ((N + 1 + NS * 8 - 1) // (NS * 8)) * (NS * 8)
    rps = NP // NS

    S = (E + NW * LANES - 1) // (NW * LANES)
    S = ((S + CH - 1) // CH) * CH
    EP = NW * LANES * S

    srcp, dstp = _tc_prep(edge_index.astype(jnp.int32), N, NP, EP)
    dst3 = dstp.reshape(NW, S, LANES)
    src3c = srcp.reshape(NW, S // CH, CH * LANES)
    dst3c = dstp.reshape(NW, S // CH, CH * LANES)

    zeros = jnp.zeros((NP, H), jnp.float32)
    ones = jnp.ones((LANES, H), jnp.float32)
    rep = 128 // H
    R = NP * H // 128
    b1row = jnp.tile(b1.astype(jnp.float32), rep).reshape(1, 128)
    W2big = jnp.kron(jnp.eye(rep, dtype=jnp.float32), W2)
    b2row = jnp.tile(b2.astype(jnp.float32), rep).reshape(1, rep * C)

    deg_kernel = _make_degree_kernel(NP, H, S, rps)
    agg_kernel = _make_agg_kernel(NP, H, S, rps)

    h = _tc_matmul1(x, W1, NP)
    h128 = h.reshape(R, 128)
    degp = deg_kernel(dst3, ones, zeros)
    degp128 = degp.reshape(2 * R, 128)
    g1f = _tc_gscale(degp128, h128)
    agg1 = agg_kernel(g1f.reshape(NP, H), src3c, dst3c, zeros)
    g2_128 = _tc_mid(degp128, agg1.reshape(2 * R, 128), g1f, b1row, NP, H)
    agg2 = agg_kernel(g2_128.reshape(NP, H), src3c, dst3c, zeros)
    out128 = _tc_final(degp128, agg2.reshape(2 * R, 128), g2_128,
                       W2big, b2row, NP, H)
    return out128.reshape(NP, C)[0:N]

# --- scband reference (transcript-rebuilt; emitter-appended) ---
"""Pipeline reference for scband-gcn-69097433858735 (READ-ONLY COPY).

The authoritative reference and input builder live on the scoring server;
editing this copy changes nothing except your own understanding.
"""

import jax, jax.numpy as jnp
import numpy as np

N_NODES = 10000
N_EDGES = 320000
D_FEAT = 128
D_HID = 16
N_CLASSES = 3


def gcn_conv(x, edge_index, W, b):
    # Faithful GCNConv: add self-loops, symmetric D^-1/2 (A+I) D^-1/2 normalization,
    # linear transform then propagate, then bias (PyG default semantics).
    N = x.shape[0]
    loops = jnp.arange(N, dtype=edge_index.dtype)
    src = jnp.concatenate([edge_index[0], loops])
    dst = jnp.concatenate([edge_index[1], loops])
    deg = jax.ops.segment_sum(jnp.ones_like(dst, dtype=x.dtype), dst, num_segments=N)
    dinv = jnp.where(deg > 0, jax.lax.rsqrt(deg), 0.0)
    norm = dinv[src] * dinv[dst]
    h = x @ W
    msg = jnp.take(h, src, axis=0) * norm[:, None]
    out = jax.ops.segment_sum(msg, dst, num_segments=N)
    return out + b


def setup_inputs(seed: int = 0) -> dict:
    key = jax.random.key(seed)
    k1, k2, k3, k4, k5 = jax.random.split(key, 5)
    x = jax.random.normal(k1, (N_NODES, D_FEAT), dtype=jnp.float32)
    edge_index = jax.random.randint(k2, (2, N_EDGES), 0, N_NODES, dtype=jnp.int64)
    s1 = 1.0 / np.sqrt(D_FEAT)
    s2 = 1.0 / np.sqrt(D_HID)
    W1 = jax.random.uniform(k3, (D_FEAT, D_HID), dtype=jnp.float32, minval=-s1, maxval=s1)
    b1 = jnp.zeros((D_HID,), dtype=jnp.float32)
    W2 = jax.random.uniform(k4, (D_HID, N_CLASSES), dtype=jnp.float32, minval=-s2, maxval=s2)
    b2 = jnp.zeros((N_CLASSES,), dtype=jnp.float32)
    return {"x": x, "edge_index": edge_index, "W1": W1, "b1": b1, "W2": W2, "b2": b2}


def reference(x, edge_index, W1, b1, W2, b2):
    h = gcn_conv(x, edge_index, W1, b1)
    h = jax.nn.relu(h)
    out = gcn_conv(h, edge_index, W2, b2)
    return out

if __name__ == "__main__":
    import jax
    _d = setup_inputs()
    print(jax.jit(kernel)(*tuple(_d.values())))

</pallas_src>

<mosaic_0001>
#map = affine_map<(d0, d1) -> (0, 0)>
#map1 = affine_map<(d0, d1) -> (0, 0, 0)>
module attributes {stable_mosaic.version = 14 : i64} {
  func.func @agg_kernel(%arg0: i32, %arg1: i32, %arg2: memref<10112x16xf32, #tpu.memory_space<hbm>>, %arg3: memref<32x5x2048xi32, #tpu.memory_space<hbm>>, %arg4: memref<32x5x2048xi32, #tpu.memory_space<hbm>>, %arg5: memref<10112x16xf32, #tpu.memory_space<hbm>>, %arg6: memref<2x10112x16xf32, #tpu.memory_space<hbm>>, %arg7: memref<5x2048xi32, #tpu.memory_space<vmem>>, %arg8: memref<5x2048xi32, #tpu.memory_space<vmem>>, %arg9: memref<2x2048x16xf32, #tpu.memory_space<vmem>>, %arg10: memref<10112x16xf32, #tpu.memory_space<vmem_shared>>, %arg11: memref<10112x16xf32, #tpu.memory_space<vmem_shared>>, %arg12: memref<!tpu.dma_semaphore, #tpu.memory_space<semaphore_mem>>, %arg13: memref<!tpu.dma_semaphore, #tpu.memory_space<semaphore_mem>>, %arg14: memref<!tpu.dma_semaphore, #tpu.memory_space<semaphore_mem>>, %arg15: memref<!tpu.dma_semaphore, #tpu.memory_space<semaphore_mem>>) attributes {dimension_semantics = [#tpu.dimension_semantics<core_parallel>, #tpu.dimension_semantics<subcore_parallel>], iteration_bounds = array<i64: 2, 16>, scalar_prefetch = 0 : i64, scratch_operands = 9 : i64, tpu.core_type = #tpu.core_type<sc_vector_subcore>, window_params = [{transform_indices = #map}, {transform_indices = #map1}, {transform_indices = #map1}, {transform_indices = #map}, {transform_indices = #map1}]} {
    %mul3A = arith.constant 16 : i32
    %mul3A_0 = arith.muli %arg0, %mul3A : i32
    %add3A = arith.addi %mul3A_0, %arg1 : i32
    %mul3A_1 = arith.constant 632 : i32
    %mul3A_2 = arith.muli %arg1, %mul3A_1 : i32
    "tpu.region"() ({
      %run_scoped3A = tpu.sem_alloc : memref<!tpu.dma_semaphore, #tpu.memory_space<semaphore_mem>>
      %dma_start3A_242 = arith.constant 0 : i32
      %dma_start3A_243 = arith.constant 0 : i32
      %dma_start3A_244 = tpu.memref_slice %arg3[%add3A, %dma_start3A_242, %dma_start3A_243] : memref<32x5x2048xi32, #tpu.memory_space<hbm>> -> memref<1x5x2048xi32, #tpu.memory_space<hbm>>
      %dma_start3A_245 = tpu.memref_squeeze %dma_start3A_244 : memref<1x5x2048xi32, #tpu.memory_space<hbm>> -> memref<5x2048xi32, #tpu.memory_space<hbm>>
      %dma_start3A_246 = arith.constant 0 : i32
      %dma_start3A_247 = arith.constant 0 : i32
      %dma_start3A_248 = tpu.memref_slice %arg3[%add3A, %dma_start3A_246, %dma_start3A_247] : memref<32x5x2048xi32, #tpu.memory_space<hbm>> -> memref<1x5x2048xi32, #tpu.memory_space<hbm>>
      %dma_start3A_249 = tpu.memref_squeeze %dma_start3A_248 : memref<1x5x2048xi32, #tpu.memory_space<hbm>> -> memref<5x2048xi32, #tpu.memory_space<hbm>>
      tpu.enqueue_dma source(%dma_start3A_249 : memref<5x2048xi32, #tpu.memory_space<hbm>>) target(%arg7 : memref<5x2048xi32, #tpu.memory_space<vmem>>) target_semaphore(%run_scoped3A : memref<!tpu.dma_semaphore, #tpu.memory_space<semaphore_mem>>)
      %dma_wait3A_250 = arith.constant 0 : i32
      %dma_wait3A_251 = arith.constant 0 : i32
      %dma_wait3A_252 = tpu.memref_slice %arg3[%add3A, %dma_wait3A_250, %dma_wait3A_251] : memref<32x5x2048xi32, #tpu.memory_space<hbm>> -> memref<1x5x2048xi32, #tpu.memory_space<hbm>>
      %dma_wait3A_253 = tpu.memref_squeeze %dma_wait3A_252 : memref<1x5x2048xi32, #tpu.memory_space<hbm>> -> memref<5x2048xi32, #tpu.memory_space<hbm>>
      %dma_wait3A_254 = arith.constant 0 : i32
      %dma_wait3A_255 = arith.constant 0 : i32
      %dma_wait3A_256 = tpu.memref_slice %arg3[%add3A, %dma_wait3A_254, %dma_wait3A_255] : memref<32x5x2048xi32, #tpu.memory_space<hbm>> -> memref<1x5x2048xi32, #tpu.memory_space<hbm>>
      %dma_wait3A_257 = tpu.memref_squeeze %dma_wait3A_256 : memref<1x5x2048xi32, #tpu.memory_space<hbm>> -> memref<5x2048xi32, #tpu.memory_space<hbm>>
      tpu.wait_dma2 semaphore(%run_scoped3A : memref<!tpu.dma_semaphore, #tpu.memory_space<semaphore_mem>>) src(%dma_wait3A_257 : memref<5x2048xi32, #tpu.memory_space<hbm>>) dst(%arg7 : memref<5x2048xi32, #tpu.memory_space<vmem>>)
      tpu.yield
    }) : () -> ()
    "tpu.region"() ({
      %run_scoped3A = tpu.sem_alloc : memref<!tpu.dma_semaphore, #tpu.memory_space<semaphore_mem>>
      %dma_start3A_242 = arith.constant 0 : i32
      %dma_start3A_243 = arith.constant 0 : i32
      %dma_start3A_244 = tpu.memref_slice %arg4[%add3A, %dma_start3A_242, %dma_start3A_243] : memref<32x5x2048xi32, #tpu.memory_space<hbm>> -> memref<1x5x2048xi32, #tpu.memory_space<hbm>>
      %dma_start3A_245 = tpu.memref_squeeze %dma_start3A_244 : memref<1x5x2048xi32, #tpu.memory_space<hbm>> -> memref<5x2048xi32, #tpu.memory_space<hbm>>
      %dma_start3A_246 = arith.constant 0 : i32
      %dma_start3A_247 = arith.constant 0 : i32
      %dma_start3A_248 = tpu.memref_slice %arg4[%add3A, %dma_start3A_246, %dma_start3A_247] : memref<32x5x2048xi32, #tpu.memory_space<hbm>> -> memref<1x5x2048xi32, #tpu.memory_space<hbm>>
      %dma_start3A_249 = tpu.memref_squeeze %dma_start3A_248 : memref<1x5x2048xi32, #tpu.memory_space<hbm>> -> memref<5x2048xi32, #tpu.memory_space<hbm>>
      tpu.enqueue_dma source(%dma_start3A_249 : memref<5x2048xi32, #tpu.memory_space<hbm>>) target(%arg8 : memref<5x2048xi32, #tpu.memory_space<vmem>>) target_semaphore(%run_scoped3A : memref<!tpu.dma_semaphore, #tpu.memory_space<semaphore_mem>>)
      %dma_wait3A_250 = arith.constant 0 : i32
      %dma_wait3A_251 = arith.constant 0 : i32
      %dma_wait3A_252 = tpu.memref_slice %arg4[%add3A, %dma_wait3A_250, %dma_wait3A_251] : memref<32x5x2048xi32, #tpu.memory_space<hbm>> -> memref<1x5x2048xi32, #tpu.memory_space<hbm>>
      %dma_wait3A_253 = tpu.memref_squeeze %dma_wait3A_252 : memref<1x5x2048xi32, #tpu.memory_space<hbm>> -> memref<5x2048xi32, #tpu.memory_space<hbm>>
      %dma_wait3A_254 = arith.constant 0 : i32
      %dma_wait3A_255 = arith.constant 0 : i32
      %dma_wait3A_256 = tpu.memref_slice %arg4[%add3A, %dma_wait3A_254, %dma_wait3A_255] : memref<32x5x2048xi32, #tpu.memory_space<hbm>> -> memref<1x5x2048xi32, #tpu.memory_space<hbm>>
      %dma_wait3A_257 = tpu.memref_squeeze %dma_wait3A_256 : memref<1x5x2048xi32, #tpu.memory_space<hbm>> -> memref<5x2048xi32, #tpu.memory_space<hbm>>
      tpu.wait_dma2 semaphore(%run_scoped3A : memref<!tpu.dma_semaphore, #tpu.memory_space<semaphore_mem>>) src(%dma_wait3A_257 : memref<5x2048xi32, #tpu.memory_space<hbm>>) dst(%arg8 : memref<5x2048xi32, #tpu.memory_space<vmem>>)
      tpu.yield
    }) : () -> ()
    "tpu.region"() ({
      %run_scoped3A = tpu.sem_alloc : memref<!tpu.dma_semaphore, #tpu.memory_space<semaphore_mem>>
      %dma_start3A_242 = arith.constant 0 : i32
      %dma_start3A_243 = tpu.memref_slice %arg10[%mul3A_2, %dma_start3A_242] : memref<10112x16xf32, #tpu.memory_space<vmem_shared>> -> memref<632x16xf32, #tpu.memory_space<vmem_shared>>
      %dma_start3A_244 = arith.constant 0 : i32
      %dma_start3A_245 = tpu.memref_slice %arg2[%mul3A_2, %dma_start3A_244] : memref<10112x16xf32, #tpu.memory_space<hbm>> -> memref<632x16xf32, #tpu.memory_space<hbm>>
      tpu.enqueue_dma source(%dma_start3A_245 : memref<632x16xf32, #tpu.memory_space<hbm>>) target(%dma_start3A_243 : memref<632x16xf32, #tpu.memory_space<vmem_shared>>) target_semaphore(%run_scoped3A : memref<!tpu.dma_semaphore, #tpu.memory_space<semaphore_mem>>)
      %dma_wait3A_246 = arith.constant 0 : i32
      %dma_wait3A_247 = tpu.memref_slice %arg10[%mul3A_2, %dma_wait3A_246] : memref<10112x16xf32, #tpu.memory_space<vmem_shared>> -> memref<632x16xf32, #tpu.memory_space<vmem_shared>>
      %dma_wait3A_248 = arith.constant 0 : i32
      %dma_wait3A_249 = tpu.memref_slice %arg2[%mul3A_2, %dma_wait3A_248] : memref<10112x16xf32, #tpu.memory_space<hbm>> -> memref<632x16xf32, #tpu.memory_space<hbm>>
      tpu.wait_dma2 semaphore(%run_scoped3A : memref<!tpu.dma_semaphore, #tpu.memory_space<semaphore_mem>>) src(%dma_wait3A_249 : memref<632x16xf32, #tpu.memory_space<hbm>>) dst(%dma_wait3A_247 : memref<632x16xf32, #tpu.memory_space<vmem_shared>>)
      tpu.yield
    }) : () -> ()
    "tpu.region"() ({
      %run_scoped3A = tpu.sem_alloc : memref<!tpu.dma_semaphore, #tpu.memory_space<semaphore_mem>>
      %dma_start3A_242 = arith.constant 0 : i32
      %dma_start3A_243 = tpu.memref_slice %arg11[%mul3A_2, %dma_start3A_242] : memref<10112x16xf32, #tpu.memory_space<vmem_shared>> -> memref<632x16xf32, #tpu.memory_space<vmem_shared>>
      %dma_start3A_244 = arith.constant 0 : i32
      %dma_start3A_245 = tpu.memref_slice %arg5[%mul3A_2, %dma_start3A_244] : memref<10112x16xf32, #tpu.memory_space<hbm>> -> memref<632x16xf32, #tpu.memory_space<hbm>>
      tpu.enqueue_dma source(%dma_start3A_245 : memref<632x16xf32, #tpu.memory_space<hbm>>) target(%dma_start3A_243 : memref<632x16xf32, #tpu.memory_space<vmem_shared>>) target_semaphore(%run_scoped3A : memref<!tpu.dma_semaphore, #tpu.memory_space<semaphore_mem>>)
      %dma_wait3A_246 = arith.constant 0 : i32
      %dma_wait3A_247 = tpu.memref_slice %arg11[%mul3A_2, %dma_wait3A_246] : memref<10112x16xf32, #tpu.memory_space<vmem_shared>> -> memref<632x16xf32, #tpu.memory_space<vmem_shared>>
      %dma_wait3A_248 = arith.constant 0 : i32
      %dma_wait3A_249 = tpu.memref_slice %arg5[%mul3A_2, %dma_wait3A_248] : memref<10112x16xf32, #tpu.memory_space<hbm>> -> memref<632x16xf32, #tpu.memory_space<hbm>>
      tpu.wait_dma2 semaphore(%run_scoped3A : memref<!tpu.dma_semaphore, #tpu.memory_space<semaphore_mem>>) src(%dma_wait3A_249 : memref<632x16xf32, #tpu.memory_space<hbm>>) dst(%dma_wait3A_247 : memref<632x16xf32, #tpu.memory_space<vmem_shared>>)
      tpu.yield
    }) : () -> ()
    %barrier3A = arith.constant 0 : index
    tpu.barrier barrier_id(%barrier3A)
    %dma_start3A = arith.constant 0 : i32
    %dma_start3A_3 = arith.constant 0 : i32
    %dma_start3A_4 = arith.constant 0 : i32
    %dma_start3A_5 = arith.constant 0 : i32
    %dma_start3A_6 = tpu.memref_slice %arg9[%dma_start3A_3, %dma_start3A_4, %dma_start3A_5] : memref<2x2048x16xf32, #tpu.memory_space<vmem>> -> memref<1x2048x16xf32, #tpu.memory_space<vmem>>
    %dma_start3A_7 = tpu.memref_squeeze %dma_start3A_6 : memref<1x2048x16xf32, #tpu.memory_space<vmem>> -> memref<2048x16xf32, #tpu.memory_space<vmem>>
    %dma_start3A_8 = arith.constant 0 : i32
    %dma_start3A_9 = tpu.memref_slice %arg7[%dma_start3A, %dma_start3A_8] : memref<5x2048xi32, #tpu.memory_space<vmem>> -> memref<1x2048xi32, #tpu.memory_space<vmem>>
    %dma_start3A_10 = tpu.memref_squeeze %dma_start3A_9 : memref<1x2048xi32, #tpu.memory_space<vmem>> -> memref<2048xi32, #tpu.memory_space<vmem>>
    %dma_start3A_11 = arith.constant 0 : i32
    %dma_start3A_12 = arith.constant 0 : i32
    %dma_start3A_13 = tpu.memref_slice %arg10[%dma_start3A_11, %dma_start3A_12] : memref<10112x16xf32, #tpu.memory_space<vmem_shared>> -> memref<10112x16xf32, #tpu.memory_space<vmem_shared>>
    tpu.enqueue_indirect_dma source(%dma_start3A_13 : memref<10112x16xf32, #tpu.memory_space<vmem_shared>>) target(%dma_start3A_7 : memref<2048x16xf32, #tpu.memory_space<vmem>>) offsets(%dma_start3A_10 : memref<2048xi32, #tpu.memory_space<vmem>>) semaphore(%arg12 : memref<!tpu.dma_semaphore, #tpu.memory_space<semaphore_mem>>)
    %dma_start3A_14 = arith.constant 1 : i32
    %dma_start3A_15 = arith.constant 1 : i32
    %dma_start3A_16 = arith.constant 0 : i32
    %dma_start3A_17 = arith.constant 0 : i32
    %dma_start3A_18 = tpu.memref_slice %arg9[%dma_start3A_15, %dma_start3A_16, %dma_start3A_17] : memref<2x2048x16xf32, #tpu.memory_space<vmem>> -> memref<1x2048x16xf32, #tpu.memory_space<vmem>>
    %dma_start3A_19 = tpu.memref_squeeze %dma_start3A_18 : memref<1x2048x16xf32, #tpu.memory_space<vmem>> -> memref<2048x16xf32, #tpu.memory_space<vmem>>
    %dma_start3A_20 = arith.constant 0 : i32
    %dma_start3A_21 = tpu.memref_slice %arg7[%dma_start3A_14, %dma_start3A_20] : memref<5x2048xi32, #tpu.memory_space<vmem>> -> memref<1x2048xi32, #tpu.memory_space<vmem>>
    %dma_start3A_22 = tpu.memref_squeeze %dma_start3A_21 : memref<1x2048xi32, #tpu.memory_space<vmem>> -> memref<2048xi32, #tpu.memory_space<vmem>>
    %dma_start3A_23 = arith.constant 0 : i32
    %dma_start3A_24 = arith.constant 0 : i32
    %dma_start3A_25 = tpu.memref_slice %arg10[%dma_start3A_23, %dma_start3A_24] : memref<10112x16xf32, #tpu.memory_space<vmem_shared>> -> memref<10112x16xf32, #tpu.memory_space<vmem_shared>>
    tpu.enqueue_indirect_dma source(%dma_start3A_25 : memref<10112x16xf32, #tpu.memory_space<vmem_shared>>) target(%dma_start3A_19 : memref<2048x16xf32, #tpu.memory_space<vmem>>) offsets(%dma_start3A_22 : memref<2048xi32, #tpu.memory_space<vmem>>) semaphore(%arg13 : memref<!tpu.dma_semaphore, #tpu.memory_space<semaphore_mem>>)
    %dma_wait3A = arith.constant 0 : i32
    %dma_wait3A_26 = arith.constant 0 : i32
    %dma_wait3A_27 = arith.constant 0 : i32
    %dma_wait3A_28 = arith.constant 0 : i32
    %dma_wait3A_29 = tpu.memref_slice %arg9[%dma_wait3A_26, %dma_wait3A_27, %dma_wait3A_28] : memref<2x2048x16xf32, #tpu.memory_space<vmem>> -> memref<1x2048x16xf32, #tpu.memory_space<vmem>>
    %dma_wait3A_30 = tpu.memref_squeeze %dma_wait3A_29 : memref<1x2048x16xf32, #tpu.memory_space<vmem>> -> memref<2048x16xf32, #tpu.memory_space<vmem>>
    %dma_wait3A_31 = arith.constant 0 : i32
    %dma_wait3A_32 = tpu.memref_slice %arg7[%dma_wait3A, %dma_wait3A_31] : memref<5x2048xi32, #tpu.memory_space<vmem>> -> memref<1x2048xi32, #tpu.memory_space<vmem>>
    %dma_wait3A_33 = tpu.memref_squeeze %dma_wait3A_32 : memref<1x2048xi32, #tpu.memory_space<vmem>> -> memref<2048xi32, #tpu.memory_space<vmem>>
    %dma_wait3A_34 = arith.constant 0 : i32
    %dma_wait3A_35 = arith.constant 0 : i32
    %dma_wait3A_36 = tpu.memref_slice %arg10[%dma_wait3A_34, %dma_wait3A_35] : memref<10112x16xf32, #tpu.memory_space<vmem_shared>> -> memref<10112x16xf32, #tpu.memory_space<vmem_shared>>
    tpu.wait_indirect_dma semaphore(%arg12 : memref<!tpu.dma_semaphore, #tpu.memory_space<semaphore_mem>>) src(%dma_wait3A_36 : memref<10112x16xf32, #tpu.memory_space<vmem_shared>>) dst(%dma_wait3A_30 : memref<2048x16xf32, #tpu.memory_space<vmem>>)
    %dma_start3A_37 = arith.constant 0 : i32
    %dma_start3A_38 = arith.constant 0 : i32
    %dma_start3A_39 = arith.constant 0 : i32
    %dma_start3A_40 = arith.constant 0 : i32
    %dma_start3A_41 = tpu.memref_slice %arg9[%dma_start3A_37, %dma_start3A_39, %dma_start3A_40] : memref<2x2048x16xf32, #tpu.memory_space<vmem>> -> memref<1x2048x16xf32, #tpu.memory_space<vmem>>
    %dma_start3A_42 = tpu.memref_squeeze %dma_start3A_41 : memref<1x2048x16xf32, #tpu.memory_space<vmem>> -> memref<2048x16xf32, #tpu.memory_space<vmem>>
    %dma_start3A_43 = arith.constant 0 : i32
    %dma_start3A_44 = tpu.memref_slice %arg8[%dma_start3A_38, %dma_start3A_43] : memref<5x2048xi32, #tpu.memory_space<vmem>> -> memref<1x2048xi32, #tpu.memory_space<vmem>>
    %dma_start3A_45 = tpu.memref_squeeze %dma_start3A_44 : memref<1x2048xi32, #tpu.memory_space<vmem>> -> memref<2048xi32, #tpu.memory_space<vmem>>
    %dma_start3A_46 = arith.constant 0 : i32
    %dma_start3A_47 = arith.constant 0 : i32
    %dma_start3A_48 = tpu.memref_slice %arg11[%dma_start3A_46, %dma_start3A_47] : memref<10112x16xf32, #tpu.memory_space<vmem_shared>> -> memref<10112x16xf32, #tpu.memory_space<vmem_shared>>
    tpu.enqueue_indirect_dma source(%dma_start3A_42 : memref<2048x16xf32, #tpu.memory_space<vmem>>) target(%dma_start3A_48 : memref<10112x16xf32, #tpu.memory_space<vmem_shared>>) offsets(%dma_start3A_45 : memref<2048xi32, #tpu.memory_space<vmem>>) semaphore(%arg14 : memref<!tpu.dma_semaphore, #tpu.memory_space<semaphore_mem>>) {add = true}
    %dma_wait3A_49 = arith.constant 1 : i32
    %dma_wait3A_50 = arith.constant 1 : i32
    %dma_wait3A_51 = arith.constant 0 : i32
    %dma_wait3A_52 = arith.constant 0 : i32
    %dma_wait3A_53 = tpu.memref_slice %arg9[%dma_wait3A_50, %dma_wait3A_51, %dma_wait3A_52] : memref<2x2048x16xf32, #tpu.memory_space<vmem>> -> memref<1x2048x16xf32, #tpu.memory_space<vmem>>
    %dma_wait3A_54 = tpu.memref_squeeze %dma_wait3A_53 : memref<1x2048x16xf32, #tpu.memory_space<vmem>> -> memref<2048x16xf32, #tpu.memory_space<vmem>>
    %dma_wait3A_55 = arith.constant 0 : i32
    %dma_wait3A_56 = tpu.memref_slice %arg7[%dma_wait3A_49, %dma_wait3A_55] : memref<5x2048xi32, #tpu.memory_space<vmem>> -> memref<1x2048xi32, #tpu.memory_space<vmem>>
    %dma_wait3A_57 = tpu.memref_squeeze %dma_wait3A_56 : memref<1x2048xi32, #tpu.memory_space<vmem>> -> memref<2048xi32, #tpu.memory_space<vmem>>
    %dma_wait3A_58 = arith.constant 0 : i32
    %dma_wait3A_59 = arith.constant 0 : i32
    %dma_wait3A_60 = tpu.memref_slice %arg10[%dma_wait3A_58, %dma_wait3A_59] : memref<10112x16xf32, #tpu.memory_space<vmem_shared>> -> memref<10112x16xf32, #tpu.memory_space<vmem_shared>>
    tpu.wait_indirect_dma semaphore(%arg13 : memref<!tpu.dma_semaphore, #tpu.memory_space<semaphore_mem>>) src(%dma_wait3A_60 : memref<10112x16xf32, #tpu.memory_space<vmem_shared>>) dst(%dma_wait3A_54 : memref<2048x16xf32, #tpu.memory_space<vmem>>)
    %dma_start3A_61 = arith.constant 1 : i32
    %dma_start3A_62 = arith.constant 1 : i32
    %dma_start3A_63 = arith.constant 0 : i32
    %dma_start3A_64 = arith.constant 0 : i32
    %dma_start3A_65 = tpu.memref_slice %arg9[%dma_start3A_61, %dma_start3A_63, %dma_start3A_64] : memref<2x2048x16xf32, #tpu.memory_space<vmem>> -> memref<1x2048x16xf32, #tpu.memory_space<vmem>>
    %dma_start3A_66 = tpu.memref_squeeze %dma_start3A_65 : memref<1x2048x16xf32, #tpu.memory_space<vmem>> -> memref<2048x16xf32, #tpu.memory_space<vmem>>
    %dma_start3A_67 = arith.constant 0 : i32
    %dma_start3A_68 = tpu.memref_slice %arg8[%dma_start3A_62, %dma_start3A_67] : memref<5x2048xi32, #tpu.memory_space<vmem>> -> memref<1x2048xi32, #tpu.memory_space<vmem>>
    %dma_start3A_69 = tpu.memref_squeeze %dma_start3A_68 : memref<1x2048xi32, #tpu.memory_space<vmem>> -> memref<2048xi32, #tpu.memory_space<vmem>>
    %dma_start3A_70 = arith.constant 0 : i32
    %dma_start3A_71 = arith.constant 0 : i32
    %dma_start3A_72 = tpu.memref_slice %arg11[%dma_start3A_70, %dma_start3A_71] : memref<10112x16xf32, #tpu.memory_space<vmem_shared>> -> memref<10112x16xf32, #tpu.memory_space<vmem_shared>>
    tpu.enqueue_indirect_dma source(%dma_start3A_66 : memref<2048x16xf32, #tpu.memory_space<vmem>>) target(%dma_start3A_72 : memref<10112x16xf32, #tpu.memory_space<vmem_shared>>) offsets(%dma_start3A_69 : memref<2048xi32, #tpu.memory_space<vmem>>) semaphore(%arg15 : memref<!tpu.dma_semaphore, #tpu.memory_space<semaphore_mem>>) {add = true}
    %dma_wait3A_73 = arith.constant 0 : i32
    %dma_wait3A_74 = arith.constant 0 : i32
    %dma_wait3A_75 = arith.constant 0 : i32
    %dma_wait3A_76 = arith.constant 0 : i32
    %dma_wait3A_77 = tpu.memref_slice %arg9[%dma_wait3A_73, %dma_wait3A_75, %dma_wait3A_76] : memref<2x2048x16xf32, #tpu.memory_space<vmem>> -> memref<1x2048x16xf32, #tpu.memory_space<vmem>>
    %dma_wait3A_78 = tpu.memref_squeeze %dma_wait3A_77 : memref<1x2048x16xf32, #tpu.memory_space<vmem>> -> memref<2048x16xf32, #tpu.memory_space<vmem>>
    %dma_wait3A_79 = arith.constant 0 : i32
    %dma_wait3A_80 = tpu.memref_slice %arg8[%dma_wait3A_74, %dma_wait3A_79] : memref<5x2048xi32, #tpu.memory_space<vmem>> -> memref<1x2048xi32, #tpu.memory_space<vmem>>
    %dma_wait3A_81 = tpu.memref_squeeze %dma_wait3A_80 : memref<1x2048xi32, #tpu.memory_space<vmem>> -> memref<2048xi32, #tpu.memory_space<vmem>>
    %dma_wait3A_82 = arith.constant 0 : i32
    %dma_wait3A_83 = arith.constant 0 : i32
    %dma_wait3A_84 = tpu.memref_slice %arg11[%dma_wait3A_82, %dma_wait3A_83] : memref<10112x16xf32, #tpu.memory_space<vmem_shared>> -> memref<10112x16xf32, #tpu.memory_space<vmem_shared>>
    tpu.wait_indirect_dma semaphore(%arg14 : memref<!tpu.dma_semaphore, #tpu.memory_space<semaphore_mem>>) src(%dma_wait3A_78 : memref<2048x16xf32, #tpu.memory_space<vmem>>) dst(%dma_wait3A_84 : memref<10112x16xf32, #tpu.memory_space<vmem_shared>>)
    %dma_start3A_85 = arith.constant 2 : i32
    %dma_start3A_86 = arith.constant 0 : i32
    %dma_start3A_87 = arith.constant 0 : i32
    %dma_start3A_88 = arith.constant 0 : i32
    %dma_start3A_89 = tpu.memref_slice %arg9[%dma_start3A_86, %dma_start3A_87, %dma_start3A_88] : memref<2x2048x16xf32, #tpu.memory_space<vmem>> -> memref<1x2048x16xf32, #tpu.memory_space<vmem>>
    %dma_start3A_90 = tpu.memref_squeeze %dma_start3A_89 : memref<1x2048x16xf32, #tpu.memory_space<vmem>> -> memref<2048x16xf32, #tpu.memory_space<vmem>>
    %dma_start3A_91 = arith.constant 0 : i32
    %dma_start3A_92 = tpu.memref_slice %arg7[%dma_start3A_85, %dma_start3A_91] : memref<5x2048xi32, #tpu.memory_space<vmem>> -> memref<1x2048xi32, #tpu.memory_space<vmem>>
    %dma_start3A_93 = tpu.memref_squeeze %dma_start3A_92 : memref<1x2048xi32, #tpu.memory_space<vmem>> -> memref<2048xi32, #tpu.memory_space<vmem>>
    %dma_start3A_94 = arith.constant 0 : i32
    %dma_start3A_95 = arith.constant 0 : i32
    %dma_start3A_96 = tpu.memref_slice %arg10[%dma_start3A_94, %dma_start3A_95] : memref<10112x16xf32, #tpu.memory_space<vmem_shared>> -> memref<10112x16xf32, #tpu.memory_space<vmem_shared>>
    tpu.enqueue_indirect_dma source(%dma_start3A_96 : memref<10112x16xf32, #tpu.memory_space<vmem_shared>>) target(%dma_start3A_90 : memref<2048x16xf32, #tpu.memory_space<vmem>>) offsets(%dma_start3A_93 : memref<2048xi32, #tpu.memory_space<vmem>>) semaphore(%arg12 : memref<!tpu.dma_semaphore, #tpu.memory_space<semaphore_mem>>)
    %dma_wait3A_97 = arith.constant 2 : i32
    %dma_wait3A_98 = arith.constant 0 : i32
    %dma_wait3A_99 = arith.constant 0 : i32
    %dma_wait3A_100 = arith.constant 0 : i32
    %dma_wait3A_101 = tpu.memref_slice %arg9[%dma_wait3A_98, %dma_wait3A_99, %dma_wait3A_100] : memref<2x2048x16xf32, #tpu.memory_space<vmem>> -> memref<1x2048x16xf32, #tpu.memory_space<vmem>>
    %dma_wait3A_102 = tpu.memref_squeeze %dma_wait3A_101 : memref<1x2048x16xf32, #tpu.memory_space<vmem>> -> memref<2048x16xf32, #tpu.memory_space<vmem>>
    %dma_wait3A_103 = arith.constant 0 : i32
    %dma_wait3A_104 = tpu.memref_slice %arg7[%dma_wait3A_97, %dma_wait3A_103] : memref<5x2048xi32, #tpu.memory_space<vmem>> -> memref<1x2048xi32, #tpu.memory_space<vmem>>
    %dma_wait3A_105 = tpu.memref_squeeze %dma_wait3A_104 : memref<1x2048xi32, #tpu.memory_space<vmem>> -> memref<2048xi32, #tpu.memory_space<vmem>>
    %dma_wait3A_106 = arith.constant 0 : i32
    %dma_wait3A_107 = arith.constant 0 : i32
    %dma_wait3A_108 = tpu.memref_slice %arg10[%dma_wait3A_106, %dma_wait3A_107] : memref<10112x16xf32, #tpu.memory_space<vmem_shared>> -> memref<10112x16xf32, #tpu.memory_space<vmem_shared>>
    tpu.wait_indirect_dma semaphore(%arg12 : memref<!tpu.dma_semaphore, #tpu.memory_space<semaphore_mem>>) src(%dma_wait3A_108 : memref<10112x16xf32, #tpu.memory_space<vmem_shared>>) dst(%dma_wait3A_102 : memref<2048x16xf32, #tpu.memory_space<vmem>>)
    %dma_start3A_109 = arith.constant 0 : i32
    %dma_start3A_110 = arith.constant 2 : i32
    %dma_start3A_111 = arith.constant 0 : i32
    %dma_start3A_112 = arith.constant 0 : i32
    %dma_start3A_113 = tpu.memref_slice %arg9[%dma_start3A_109, %dma_start3A_111, %dma_start3A_112] : memref<2x2048x16xf32, #tpu.memory_space<vmem>> -> memref<1x2048x16xf32, #tpu.memory_space<vmem>>
    %dma_start3A_114 = tpu.memref_squeeze %dma_start3A_113 : memref<1x2048x16xf32, #tpu.memory_space<vmem>> -> memref<2048x16xf32, #tpu.memory_space<vmem>>
    %dma_start3A_115 = arith.constant 0 : i32
    %dma_start3A_116 = tpu.memref_slice %arg8[%dma_start3A_110, %dma_start3A_115] : memref<5x2048xi32, #tpu.memory_space<vmem>> -> memref<1x2048xi32, #tpu.memory_space<vmem>>
    %dma_start3A_117 = tpu.memref_squeeze %dma_start3A_116 : memref<1x2048xi32, #tpu.memory_space<vmem>> -> memref<2048xi32, #tpu.memory_space<vmem>>
    %dma_start3A_118 = arith.constant 0 : i32
    %dma_start3A_119 = arith.constant 0 : i32
    %dma_start3A_120 = tpu.memref_slice %arg11[%dma_start3A_118, %dma_start3A_119] : memref<10112x16xf32, #tpu.memory_space<vmem_shared>> -> memref<10112x16xf32, #tpu.memory_space<vmem_shared>>
    tpu.enqueue_indirect_dma source(%dma_start3A_114 : memref<2048x16xf32, #tpu.memory_space<vmem>>) target(%dma_start3A_120 : memref<10112x16xf32, #tpu.memory_space<vmem_shared>>) offsets(%dma_start3A_117 : memref<2048xi32, #tpu.memory_space<vmem>>) semaphore(%arg14 : memref<!tpu.dma_semaphore, #tpu.memory_space<semaphore_mem>>) {add = true}
    %dma_wait3A_121 = arith.constant 1 : i32
    %dma_wait3A_122 = arith.constant 1 : i32
    %dma_wait3A_123 = arith.constant 0 : i32
    %dma_wait3A_124 = arith.constant 0 : i32
    %dma_wait3A_125 = tpu.memref_slice %arg9[%dma_wait3A_121, %dma_wait3A_123, %dma_wait3A_124] : memref<2x2048x16xf32, #tpu.memory_space<vmem>> -> memref<1x2048x16xf32, #tpu.memory_space<vmem>>
    %dma_wait3A_126 = tpu.memref_squeeze %dma_wait3A_125 : memref<1x2048x16xf32, #tpu.memory_space<vmem>> -> memref<2048x16xf32, #tpu.memory_space<vmem>>
    %dma_wait3A_127 = arith.constant 0 : i32
    %dma_wait3A_128 = tpu.memref_slice %arg8[%dma_wait3A_122, %dma_wait3A_127] : memref<5x2048xi32, #tpu.memory_space<vmem>> -> memref<1x2048xi32, #tpu.memory_space<vmem>>
    %dma_wait3A_129 = tpu.memref_squeeze %dma_wait3A_128 : memref<1x2048xi32, #tpu.memory_space<vmem>> -> memref<2048xi32, #tpu.memory_space<vmem>>
    %dma_wait3A_130 = arith.constant 0 : i32
    %dma_wait3A_131 = arith.constant 0 : i32
    %dma_wait3A_132 = tpu.memref_slice %arg11[%dma_wait3A_130, %dma_wait3A_131] : memref<10112x16xf32, #tpu.memory_space<vmem_shared>> -> memref<10112x16xf32, #tpu.memory_space<vmem_shared>>
    tpu.wait_indirect_dma semaphore(%arg15 : memref<!tpu.dma_semaphore, #tpu.memory_space<semaphore_mem>>) src(%dma_wait3A_126 : memref<2048x16xf32, #tpu.memory_space<vmem>>) dst(%dma_wait3A_132 : memref<10112x16xf32, #tpu.memory_space<vmem_shared>>)
    %dma_start3A_133 = arith.constant 3 : i32
    %dma_start3A_134 = arith.constant 1 : i32
    %dma_start3A_135 = arith.constant 0 : i32
    %dma_start3A_136 = arith.constant 0 : i32
    %dma_start3A_137 = tpu.memref_slice %arg9[%dma_start3A_134, %dma_start3A_135, %dma_start3A_136] : memref<2x2048x16xf32, #tpu.memory_space<vmem>> -> memref<1x2048x16xf32, #tpu.memory_space<vmem>>
    %dma_start3A_138 = tpu.memref_squeeze %dma_start3A_137 : memref<1x2048x16xf32, #tpu.memory_space<vmem>> -> memref<2048x16xf32, #tpu.memory_space<vmem>>
    %dma_start3A_139 = arith.constant 0 : i32
    %dma_start3A_140 = tpu.memref_slice %arg7[%dma_start3A_133, %dma_start3A_139] : memref<5x2048xi32, #tpu.memory_space<vmem>> -> memref<1x2048xi32, #tpu.memory_space<vmem>>
    %dma_start3A_141 = tpu.memref_squeeze %dma_start3A_140 : memref<1x2048xi32, #tpu.memory_space<vmem>> -> memref<2048xi32, #tpu.memory_space<vmem>>
    %dma_start3A_142 = arith.constant 0 : i32
    %dma_start3A_143 = arith.constant 0 : i32
    %dma_start3A_144 = tpu.memref_slice %arg10[%dma_start3A_142, %dma_start3A_143] : memref<10112x16xf32, #tpu.memory_space<vmem_shared>> -> memref<10112x16xf32, #tpu.memory_space<vmem_shared>>
    tpu.enqueue_indirect_dma source(%dma_start3A_144 : memref<10112x16xf32, #tpu.memory_space<vmem_shared>>) target(%dma_start3A_138 : memref<2048x16xf32, #tpu.memory_space<vmem>>) offsets(%dma_start3A_141 : memref<2048xi32, #tpu.memory_space<vmem>>) semaphore(%arg13 : memref<!tpu.dma_semaphore, #tpu.memory_space<semaphore_mem>>)
    %dma_wait3A_145 = arith.constant 3 : i32
    %dma_wait3A_146 = arith.constant 1 : i32
    %dma_wait3A_147 = arith.constant 0 : i32
    %dma_wait3A_148 = arith.constant 0 : i32
    %dma_wait3A_149 = tpu.memref_slice %arg9[%dma_wait3A_146, %dma_wait3A_147, %dma_wait3A_148] : memref<2x2048x16xf32, #tpu.memory_space<vmem>> -> memref<1x2048x16xf32, #tpu.memory_space<vmem>>
    %dma_wait3A_150 = tpu.memref_squeeze %dma_wait3A_149 : memref<1x2048x16xf32, #tpu.memory_space<vmem>> -> memref<2048x16xf32, #tpu.memory_space<vmem>>
    %dma_wait3A_151 = arith.constant 0 : i32
    %dma_wait3A_152 = tpu.memref_slice %arg7[%dma_wait3A_145, %dma_wait3A_151] : memref<5x2048xi32, #tpu.memory_space<vmem>> -> memref<1x2048xi32, #tpu.memory_space<vmem>>
    %dma_wait3A_153 = tpu.memref_squeeze %dma_wait3A_152 : memref<1x2048xi32, #tpu.memory_space<vmem>> -> memref<2048xi32, #tpu.memory_space<vmem>>
    %dma_wait3A_154 = arith.constant 0 : i32
    %dma_wait3A_155 = arith.constant 0 : i32
    %dma_wait3A_156 = tpu.memref_slice %arg10[%dma_wait3A_154, %dma_wait3A_155] : memref<10112x16xf32, #tpu.memory_space<vmem_shared>> -> memref<10112x16xf32, #tpu.memory_space<vmem_shared>>
    tpu.wait_indirect_dma semaphore(%arg13 : memref<!tpu.dma_semaphore, #tpu.memory_space<semaphore_mem>>) src(%dma_wait3A_156 : memref<10112x16xf32, #tpu.memory_space<vmem_shared>>) dst(%dma_wait3A_150 : memref<2048x16xf32, #tpu.memory_space<vmem>>)
    %dma_start3A_157 = arith.constant 1 : i32
    %dma_start3A_158 = arith.constant 3 : i32
    %dma_start3A_159 = arith.constant 0 : i32
    %dma_start3A_160 = arith.constant 0 : i32
    %dma_start3A_161 = tpu.memref_slice %arg9[%dma_start3A_157, %dma_start3A_159, %dma_start3A_160] : memref<2x2048x16xf32, #tpu.memory_space<vmem>> -> memref<1x2048x16xf32, #tpu.memory_space<vmem>>
    %dma_start3A_162 = tpu.memref_squeeze %dma_start3A_161 : memref<1x2048x16xf32, #tpu.memory_space<vmem>> -> memref<2048x16xf32, #tpu.memory_space<vmem>>
    %dma_start3A_163 = arith.constant 0 : i32
    %dma_start3A_164 = tpu.memref_slice %arg8[%dma_start3A_158, %dma_start3A_163] : memref<5x2048xi32, #tpu.memory_space<vmem>> -> memref<1x2048xi32, #tpu.memory_space<vmem>>
    %dma_start3A_165 = tpu.memref_squeeze %dma_start3A_164 : memref<1x2048xi32, #tpu.memory_space<vmem>> -> memref<2048xi32, #tpu.memory_space<vmem>>
    %dma_start3A_166 = arith.constant 0 : i32
    %dma_start3A_167 = arith.constant 0 : i32
    %dma_start3A_168 = tpu.memref_slice %arg11[%dma_start3A_166, %dma_start3A_167] : memref<10112x16xf32, #tpu.memory_space<vmem_shared>> -> memref<10112x16xf32, #tpu.memory_space<vmem_shared>>
    tpu.enqueue_indirect_dma source(%dma_start3A_162 : memref<2048x16xf32, #tpu.memory_space<vmem>>) target(%dma_start3A_168 : memref<10112x16xf32, #tpu.memory_space<vmem_shared>>) offsets(%dma_start3A_165 : memref<2048xi32, #tpu.memory_space<vmem>>) semaphore(%arg15 : memref<!tpu.dma_semaphore, #tpu.memory_space<semaphore_mem>>) {add = true}
    %dma_wait3A_169 = arith.constant 0 : i32
    %dma_wait3A_170 = arith.constant 2 : i32
    %dma_wait3A_171 = arith.constant 0 : i32
    %dma_wait3A_172 = arith.constant 0 : i32
    %dma_wait3A_173 = tpu.memref_slice %arg9[%dma_wait3A_169, %dma_wait3A_171, %dma_wait3A_172] : memref<2x2048x16xf32, #tpu.memory_space<vmem>> -> memref<1x2048x16xf32, #tpu.memory_space<vmem>>
    %dma_wait3A_174 = tpu.memref_squeeze %dma_wait3A_173 : memref<1x2048x16xf32, #tpu.memory_space<vmem>> -> memref<2048x16xf32, #tpu.memory_space<vmem>>
    %dma_wait3A_175 = arith.constant 0 : i32
    %dma_wait3A_176 = tpu.memref_slice %arg8[%dma_wait3A_170, %dma_wait3A_175] : memref<5x2048xi32, #tpu.memory_space<vmem>> -> memref<1x2048xi32, #tpu.memory_space<vmem>>
    %dma_wait3A_177 = tpu.memref_squeeze %dma_wait3A_176 : memref<1x2048xi32, #tpu.memory_space<vmem>> -> memref<2048xi32, #tpu.memory_space<vmem>>
    %dma_wait3A_178 = arith.constant 0 : i32
    %dma_wait3A_179 = arith.constant 0 : i32
    %dma_wait3A_180 = tpu.memref_slice %arg11[%dma_wait3A_178, %dma_wait3A_179] : memref<10112x16xf32, #tpu.memory_space<vmem_shared>> -> memref<10112x16xf32, #tpu.memory_space<vmem_shared>>
    tpu.wait_indirect_dma semaphore(%arg14 : memref<!tpu.dma_semaphore, #tpu.memory_space<semaphore_mem>>) src(%dma_wait3A_174 : memref<2048x16xf32, #tpu.memory_space<vmem>>) dst(%dma_wait3A_180 : memref<10112x16xf32, #tpu.memory_space<vmem_shared>>)
    %dma_start3A_181 = arith.constant 4 : i32
    %dma_start3A_182 = arith.constant 0 : i32
    %dma_start3A_183 = arith.constant 0 : i32
    %dma_start3A_184 = arith.constant 0 : i32
    %dma_start3A_185 = tpu.memref_slice %arg9[%dma_start3A_182, %dma_start3A_183, %dma_start3A_184] : memref<2x2048x16xf32, #tpu.memory_space<vmem>> -> memref<1x2048x16xf32, #tpu.memory_space<vmem>>
    %dma_start3A_186 = tpu.memref_squeeze %dma_start3A_185 : memref<1x2048x16xf32, #tpu.memory_space<vmem>> -> memref<2048x16xf32, #tpu.memory_space<vmem>>
    %dma_start3A_187 = arith.constant 0 : i32
    %dma_start3A_188 = tpu.memref_slice %arg7[%dma_start3A_181, %dma_start3A_187] : memref<5x2048xi32, #tpu.memory_space<vmem>> -> memref<1x2048xi32, #tpu.memory_space<vmem>>
    %dma_start3A_189 = tpu.memref_squeeze %dma_start3A_188 : memref<1x2048xi32, #tpu.memory_space<vmem>> -> memref<2048xi32, #tpu.memory_space<vmem>>
    %dma_start3A_190 = arith.constant 0 : i32
    %dma_start3A_191 = arith.constant 0 : i32
    %dma_start3A_192 = tpu.memref_slice %arg10[%dma_start3A_190, %dma_start3A_191] : memref<10112x16xf32, #tpu.memory_space<vmem_shared>> -> memref<10112x16xf32, #tpu.memory_space<vmem_shared>>
    tpu.enqueue_indirect_dma source(%dma_start3A_192 : memref<10112x16xf32, #tpu.memory_space<vmem_shared>>) target(%dma_start3A_186 : memref<2048x16xf32, #tpu.memory_space<vmem>>) offsets(%dma_start3A_189 : memref<2048xi32, #tpu.memory_space<vmem>>) semaphore(%arg12 : memref<!tpu.dma_semaphore, #tpu.memory_space<semaphore_mem>>)
    %dma_wait3A_193 = arith.constant 4 : i32
    %dma_wait3A_194 = arith.constant 0 : i32
    %dma_wait3A_195 = arith.constant 0 : i32
    %dma_wait3A_196 = arith.constant 0 : i32
    %dma_wait3A_197 = tpu.memref_slice %arg9[%dma_wait3A_194, %dma_wait3A_195, %dma_wait3A_196] : memref<2x2048x16xf32, #tpu.memory_space<vmem>> -> memref<1x2048x16xf32, #tpu.memory_space<vmem>>
    %dma_wait3A_198 = tpu.memref_squeeze %dma_wait3A_197 : memref<1x2048x16xf32, #tpu.memory_space<vmem>> -> memref<2048x16xf32, #tpu.memory_space<vmem>>
    %dma_wait3A_199 = arith.constant 0 : i32
    %dma_wait3A_200 = tpu.memref_slice %arg7[%dma_wait3A_193, %dma_wait3A_199] : memref<5x2048xi32, #tpu.memory_space<vmem>> -> memref<1x2048xi32, #tpu.memory_space<vmem>>
    %dma_wait3A_201 = tpu.memref_squeeze %dma_wait3A_200 : memref<1x2048xi32, #tpu.memory_space<vmem>> -> memref<2048xi32, #tpu.memory_space<vmem>>
    %dma_wait3A_202 = arith.constant 0 : i32
    %dma_wait3A_203 = arith.constant 0 : i32
    %dma_wait3A_204 = tpu.memref_slice %arg10[%dma_wait3A_202, %dma_wait3A_203] : memref<10112x16xf32, #tpu.memory_space<vmem_shared>> -> memref<10112x16xf32, #tpu.memory_space<vmem_shared>>
    tpu.wait_indirect_dma semaphore(%arg12 : memref<!tpu.dma_semaphore, #tpu.memory_space<semaphore_mem>>) src(%dma_wait3A_204 : memref<10112x16xf32, #tpu.memory_space<vmem_shared>>) dst(%dma_wait3A_198 : memref<2048x16xf32, #tpu.memory_space<vmem>>)
    %dma_start3A_205 = arith.constant 0 : i32
    %dma_start3A_206 = arith.constant 4 : i32
    %dma_start3A_207 = arith.constant 0 : i32
    %dma_start3A_208 = arith.constant 0 : i32
    %dma_start3A_209 = tpu.memref_slice %arg9[%dma_start3A_205, %dma_start3A_207, %dma_start3A_208] : memref<2x2048x16xf32, #tpu.memory_space<vmem>> -> memref<1x2048x16xf32, #tpu.memory_space<vmem>>
    %dma_start3A_210 = tpu.memref_squeeze %dma_start3A_209 : memref<1x2048x16xf32, #tpu.memory_space<vmem>> -> memref<2048x16xf32, #tpu.memory_space<vmem>>
    %dma_start3A_211 = arith.constant 0 : i32
    %dma_start3A_212 = tpu.memref_slice %arg8[%dma_start3A_206, %dma_start3A_211] : memref<5x2048xi32, #tpu.memory_space<vmem>> -> memref<1x2048xi32, #tpu.memory_space<vmem>>
    %dma_start3A_213 = tpu.memref_squeeze %dma_start3A_212 : memref<1x2048xi32, #tpu.memory_space<vmem>> -> memref<2048xi32, #tpu.memory_space<vmem>>
    %dma_start3A_214 = arith.constant 0 : i32
    %dma_start3A_215 = arith.constant 0 : i32
    %dma_start3A_216 = tpu.memref_slice %arg11[%dma_start3A_214, %dma_start3A_215] : memref<10112x16xf32, #tpu.memory_space<vmem_shared>> -> memref<10112x16xf32, #tpu.memory_space<vmem_shared>>
    tpu.enqueue_indirect_dma source(%dma_start3A_210 : memref<2048x16xf32, #tpu.memory_space<vmem>>) target(%dma_start3A_216 : memref<10112x16xf32, #tpu.memory_space<vmem_shared>>) offsets(%dma_start3A_213 : memref<2048xi32, #tpu.memory_space<vmem>>) semaphore(%arg14 : memref<!tpu.dma_semaphore, #tpu.memory_space<semaphore_mem>>) {add = true}
    %dma_wait3A_217 = arith.constant 1 : i32
    %dma_wait3A_218 = arith.constant 3 : i32
    %dma_wait3A_219 = arith.constant 0 : i32
    %dma_wait3A_220 = arith.constant 0 : i32
    %dma_wait3A_221 = tpu.memref_slice %arg9[%dma_wait3A_217, %dma_wait3A_219, %dma_wait3A_220] : memref<2x2048x16xf32, #tpu.memory_space<vmem>> -> memref<1x2048x16xf32, #tpu.memory_space<vmem>>
    %dma_wait3A_222 = tpu.memref_squeeze %dma_wait3A_221 : memref<1x2048x16xf32, #tpu.memory_space<vmem>> -> memref<2048x16xf32, #tpu.memory_space<vmem>>
    %dma_wait3A_223 = arith.constant 0 : i32
    %dma_wait3A_224 = tpu.memref_slice %arg8[%dma_wait3A_218, %dma_wait3A_223] : memref<5x2048xi32, #tpu.memory_space<vmem>> -> memref<1x2048xi32, #tpu.memory_space<vmem>>
    %dma_wait3A_225 = tpu.memref_squeeze %dma_wait3A_224 : memref<1x2048xi32, #tpu.memory_space<vmem>> -> memref<2048xi32, #tpu.memory_space<vmem>>
    %dma_wait3A_226 = arith.constant 0 : i32
    %dma_wait3A_227 = arith.constant 0 : i32
    %dma_wait3A_228 = tpu.memref_slice %arg11[%dma_wait3A_226, %dma_wait3A_227] : memref<10112x16xf32, #tpu.memory_space<vmem_shared>> -> memref<10112x16xf32, #tpu.memory_space<vmem_shared>>
    tpu.wait_indirect_dma semaphore(%arg15 : memref<!tpu.dma_semaphore, #tpu.memory_space<semaphore_mem>>) src(%dma_wait3A_222 : memref<2048x16xf32, #tpu.memory_space<vmem>>) dst(%dma_wait3A_228 : memref<10112x16xf32, #tpu.memory_space<vmem_shared>>)
    %dma_wait3A_229 = arith.constant 0 : i32
    %dma_wait3A_230 = arith.constant 4 : i32
    %dma_wait3A_231 = arith.constant 0 : i32
    %dma_wait3A_232 = arith.constant 0 : i32
    %dma_wait3A_233 = tpu.memref_slice %arg9[%dma_wait3A_229, %dma_wait3A_231, %dma_wait3A_232] : memref<2x2048x16xf32, #tpu.memory_space<vmem>> -> memref<1x2048x16xf32, #tpu.memory_space<vmem>>
    %dma_wait3A_234 = tpu.memref_squeeze %dma_wait3A_233 : memref<1x2048x16xf32, #tpu.memory_space<vmem>> -> memref<2048x16xf32, #tpu.memory_space<vmem>>
    %dma_wait3A_235 = arith.constant 0 : i32
    %dma_wait3A_236 = tpu.memref_slice %arg8[%dma_wait3A_230, %dma_wait3A_235] : memref<5x2048xi32, #tpu.memory_space<vmem>> -> memref<1x2048xi32, #tpu.memory_space<vmem>>
    %dma_wait3A_237 = tpu.memref_squeeze %dma_wait3A_236 : memref<1x2048xi32, #tpu.memory_space<vmem>> -> memref<2048xi32, #tpu.memory_space<vmem>>
    %dma_wait3A_238 = arith.constant 0 : i32
    %dma_wait3A_239 = arith.constant 0 : i32
    %dma_wait3A_240 = tpu.memref_slice %arg11[%dma_wait3A_238, %dma_wait3A_239] : memref<10112x16xf32, #tpu.memory_space<vmem_shared>> -> memref<10112x16xf32, #tpu.memory_space<vmem_shared>>
    tpu.wait_indirect_dma semaphore(%arg14 : memref<!tpu.dma_semaphore, #tpu.memory_space<semaphore_mem>>) src(%dma_wait3A_234 : memref<2048x16xf32, #tpu.memory_space<vmem>>) dst(%dma_wait3A_240 : memref<10112x16xf32, #tpu.memory_space<vmem_shared>>)
    %barrier3A_241 = arith.constant 0 : index
    tpu.barrier barrier_id(%barrier3A_241)
    "tpu.region"() ({
      %run_scoped3A = tpu.sem_alloc : memref<!tpu.dma_semaphore, #tpu.memory_space<semaphore_mem>>
      %dma_start3A_242 = arith.constant 0 : i32
      %dma_start3A_243 = tpu.memref_slice %arg6[%arg0, %mul3A_2, %dma_start3A_242] : memref<2x10112x16xf32, #tpu.memory_space<hbm>> -> memref<1x632x16xf32, #tpu.memory_space<hbm>>
      %dma_start3A_244 = tpu.memref_squeeze %dma_start3A_243 : memref<1x632x16xf32, #tpu.memory_space<hbm>> -> memref<632x16xf32, #tpu.memory_space<hbm>>
      %dma_start3A_245 = arith.constant 0 : i32
      %dma_start3A_246 = tpu.memref_slice %arg11[%mul3A_2, %dma_start3A_245] : memref<10112x16xf32, #tpu.memory_space<vmem_shared>> -> memref<632x16xf32, #tpu.memory_space<vmem_shared>>
      tpu.enqueue_dma source(%dma_start3A_246 : memref<632x16xf32, #tpu.memory_space<vmem_shared>>) target(%dma_start3A_244 : memref<632x16xf32, #tpu.memory_space<hbm>>) target_semaphore(%run_scoped3A : memref<!tpu.dma_semaphore, #tpu.memory_space<semaphore_mem>>)
      %dma_wait3A_247 = arith.constant 0 : i32
      %dma_wait3A_248 = tpu.memref_slice %arg6[%arg0, %mul3A_2, %dma_wait3A_247] : memref<2x10112x16xf32, #tpu.memory_space<hbm>> -> memref<1x632x16xf32, #tpu.memory_space<hbm>>
      %dma_wait3A_249 = tpu.memref_squeeze %dma_wait3A_248 : memref<1x632x16xf32, #tpu.memory_space<hbm>> -> memref<632x16xf32, #tpu.memory_space<hbm>>
      %dma_wait3A_250 = arith.constant 0 : i32
      %dma_wait3A_251 = tpu.memref_slice %arg11[%mul3A_2, %dma_wait3A_250] : memref<10112x16xf32, #tpu.memory_space<vmem_shared>> -> memref<632x16xf32, #tpu.memory_space<vmem_shared>>
      tpu.wait_dma2 semaphore(%run_scoped3A : memref<!tpu.dma_semaphore, #tpu.memory_space<semaphore_mem>>) src(%dma_wait3A_251 : memref<632x16xf32, #tpu.memory_space<vmem_shared>>) dst(%dma_wait3A_249 : memref<632x16xf32, #tpu.memory_space<hbm>>)
      tpu.yield
    }) : () -> ()
    return
  }
}

#map = affine_map<(d0, d1) -> (0, 0)>
#map1 = affine_map<(d0, d1) -> (0, 0, 0)>
module attributes {stable_mosaic.version = 14 : i64} {
  func.func @agg_kernel(%arg0: i32, %arg1: i32, %arg2: memref<10112x16xf32, #tpu.memory_space<hbm>>, %arg3: memref<32x5x2048xi32, #tpu.memory_space<hbm>>, %arg4: memref<32x5x2048xi32, #tpu.memory_space<hbm>>, %arg5: memref<10112x16xf32, #tpu.memory_space<hbm>>, %arg6: memref<2x10112x16xf32, #tpu.memory_space<hbm>>, %arg7: memref<5x2048xi32, #tpu.memory_space<vmem>>, %arg8: memref<5x2048xi32, #tpu.memory_space<vmem>>, %arg9: memref<2x2048x16xf32, #tpu.memory_space<vmem>>, %arg10: memref<10112x16xf32, #tpu.memory_space<vmem_shared>>, %arg11: memref<10112x16xf32, #tpu.memory_space<vmem_shared>>, %arg12: memref<!tpu.dma_semaphore, #tpu.memory_space<semaphore_mem>>, %arg13: memref<!tpu.dma_semaphore, #tpu.memory_space<semaphore_mem>>, %arg14: memref<!tpu.dma_semaphore, #tpu.memory_space<semaphore_mem>>, %arg15: memref<!tpu.dma_semaphore, #tpu.memory_space<semaphore_mem>>) attributes {dimension_semantics = [#tpu.dimension_semantics<core_parallel>, #tpu.dimension_semantics<subcore_parallel>], iteration_bounds = array<i64: 2, 16>, scalar_prefetch = 0 : i64, scratch_operands = 9 : i64, tpu.core_type = #tpu.core_type<sc_vector_subcore>, window_params = [{transform_indices = #map}, {transform_indices = #map1}, {transform_indices = #map1}, {transform_indices = #map}, {transform_indices = #map1}]} {
    %mul3A = arith.constant 16 : i32
    %mul3A_0 = arith.muli %arg0, %mul3A : i32
    %add3A = arith.addi %mul3A_0, %arg1 : i32
    %mul3A_1 = arith.constant 632 : i32
    %mul3A_2 = arith.muli %arg1, %mul3A_1 : i32
    "tpu.region"() ({
      %run_scoped3A = tpu.sem_alloc : memref<!tpu.dma_semaphore, #tpu.memory_space<semaphore_mem>>
      %dma_start3A_242 = arith.constant 0 : i32
      %dma_start3A_243 = arith.constant 0 : i32
      %dma_start3A_244 = tpu.memref_slice %arg3[%add3A, %dma_start3A_242, %dma_start3A_243] : memref<32x5x2048xi32, #tpu.memory_space<hbm>> -> memref<1x5x2048xi32, #tpu.memory_space<hbm>>
      %dma_start3A_245 = tpu.memref_squeeze %dma_start3A_244 : memref<1x5x2048xi32, #tpu.memory_space<hbm>> -> memref<5x2048xi32, #tpu.memory_space<hbm>>
      %dma_start3A_246 = arith.constant 0 : i32
      %dma_start3A_247 = arith.constant 0 : i32
      %dma_start3A_248 = tpu.memref_slice %arg3[%add3A, %dma_start3A_246, %dma_start3A_247] : memref<32x5x2048xi32, #tpu.memory_space<hbm>> -> memref<1x5x2048xi32, #tpu.memory_space<hbm>>
      %dma_start3A_249 = tpu.memref_squeeze %dma_start3A_248 : memref<1x5x2048xi32, #tpu.memory_space<hbm>> -> memref<5x2048xi32, #tpu.memory_space<hbm>>
      tpu.enqueue_dma source(%dma_start3A_249 : memref<5x2048xi32, #tpu.memory_space<hbm>>) target(%arg7 : memref<5x2048xi32, #tpu.memory_space<vmem>>) target_semaphore(%run_scoped3A : memref<!tpu.dma_semaphore, #tpu.memory_space<semaphore_mem>>)
      %dma_wait3A_250 = arith.constant 0 : i32
      %dma_wait3A_251 = arith.constant 0 : i32
      %dma_wait3A_252 = tpu.memref_slice %arg3[%add3A, %dma_wait3A_250, %dma_wait3A_251] : memref<32x5x2048xi32, #tpu.memory_space<hbm>> -> memref<1x5x2048xi32, #tpu.memory_space<hbm>>
      %dma_wait3A_253 = tpu.memref_squeeze %dma_wait3A_252 : memref<1x5x2048xi32, #tpu.memory_space<hbm>> -> memref<5x2048xi32, #tpu.memory_space<hbm>>
      %dma_wait3A_254 = arith.constant 0 : i32
      %dma_wait3A_255 = arith.constant 0 : i32
      %dma_wait3A_256 = tpu.memref_slice %arg3[%add3A, %dma_wait3A_254, %dma_wait3A_255] : memref<32x5x2048xi32, #tpu.memory_space<hbm>> -> memref<1x5x2048xi32, #tpu.memory_space<hbm>>
      %dma_wait3A_257 = tpu.memref_squeeze %dma_wait3A_256 : memref<1x5x2048xi32, #tpu.memory_space<hbm>> -> memref<5x2048xi32, #tpu.memory_space<hbm>>
      tpu.wait_dma2 semaphore(%run_scoped3A : memref<!tpu.dma_semaphore, #tpu.memory_space<semaphore_mem>>) src(%dma_wait3A_257 : memref<5x2048xi32, #tpu.memory_space<hbm>>) dst(%arg7 : memref<5x2048xi32, #tpu.memory_space<vmem>>)
      tpu.yield
    }) : () -> ()
    "tpu.region"() ({
      %run_scoped3A = tpu.sem_alloc : memref<!tpu.dma_semaphore, #tpu.memory_space<semaphore_mem>>
      %dma_start3A_242 = arith.constant 0 : i32
      %dma_start3A_243 = arith.constant 0 : i32
      %dma_start3A_244 = tpu.memref_slice %arg4[%add3A, %dma_start3A_242, %dma_start3A_243] : memref<32x5x2048xi32, #tpu.memory_space<hbm>> -> memref<1x5x2048xi32, #tpu.memory_space<hbm>>
      %dma_start3A_245 = tpu.memref_squeeze %dma_start3A_244 : memref<1x5x2048xi32, #tpu.memory_space<hbm>> -> memref<5x2048xi32, #tpu.memory_space<hbm>>
      %dma_start3A_246 = arith.constant 0 : i32
      %dma_start3A_247 = arith.constant 0 : i32
      %dma_start3A_248 = tpu.memref_slice %arg4[%add3A, %dma_start3A_246, %dma_start3A_247] : memref<32x5x2048xi32, #tpu.memory_space<hbm>> -> memref<1x5x2048xi32, #tpu.memory_space<hbm>>
      %dma_start3A_249 = tpu.memref_squeeze %dma_start3A_248 : memref<1x5x2048xi32, #tpu.memory_space<hbm>> -> memref<5x2048xi32, #tpu.memory_space<hbm>>
      tpu.enqueue_dma source(%dma_start3A_249 : memref<5x2048xi32, #tpu.memory_space<hbm>>) target(%arg8 : memref<5x2048xi32, #tpu.memory_space<vmem>>) target_semaphore(%run_scoped3A : memref<!tpu.dma_semaphore, #tpu.memory_space<semaphore_mem>>)
      %dma_wait3A_250 = arith.constant 0 : i32
      %dma_wait3A_251 = arith.constant 0 : i32
      %dma_wait3A_252 = tpu.memref_slice %arg4[%add3A, %dma_wait3A_250, %dma_wait3A_251] : memref<32x5x2048xi32, #tpu.memory_space<hbm>> -> memref<1x5x2048xi32, #tpu.memory_space<hbm>>
      %dma_wait3A_253 = tpu.memref_squeeze %dma_wait3A_252 : memref<1x5x2048xi32, #tpu.memory_space<hbm>> -> memref<5x2048xi32, #tpu.memory_space<hbm>>
      %dma_wait3A_254 = arith.constant 0 : i32
      %dma_wait3A_255 = arith.constant 0 : i32
      %dma_wait3A_256 = tpu.memref_slice %arg4[%add3A, %dma_wait3A_254, %dma_wait3A_255] : memref<32x5x2048xi32, #tpu.memory_space<hbm>> -> memref<1x5x2048xi32, #tpu.memory_space<hbm>>
      %dma_wait3A_257 = tpu.memref_squeeze %dma_wait3A_256 : memref<1x5x2048xi32, #tpu.memory_space<hbm>> -> memref<5x2048xi32, #tpu.memory_space<hbm>>
      tpu.wait_dma2 semaphore(%run_scoped3A : memref<!tpu.dma_semaphore, #tpu.memory_space<semaphore_mem>>) src(%dma_wait3A_257 : memref<5x2048xi32, #tpu.memory_space<hbm>>) dst(%arg8 : memref<5x2048xi32, #tpu.memory_space<vmem>>)
      tpu.yield
    }) : () -> ()
    "tpu.region"() ({
      %run_scoped3A = tpu.sem_alloc : memref<!tpu.dma_semaphore, #tpu.memory_space<semaphore_mem>>
      %dma_start3A_242 = arith.constant 0 : i32
      %dma_start3A_243 = tpu.memref_slice %arg10[%mul3A_2, %dma_start3A_242] : memref<10112x16xf32, #tpu.memory_space<vmem_shared>> -> memref<632x16xf32, #tpu.memory_space<vmem_shared>>
      %dma_start3A_244 = arith.constant 0 : i32
      %dma_start3A_245 = tpu.memref_slice %arg2[%mul3A_2, %dma_start3A_244] : memref<10112x16xf32, #tpu.memory_space<hbm>> -> memref<632x16xf32, #tpu.memory_space<hbm>>
      tpu.enqueue_dma source(%dma_start3A_245 : memref<632x16xf32, #tpu.memory_space<hbm>>) target(%dma_start3A_243 : memref<632x16xf32, #tpu.memory_space<vmem_shared>>) target_semaphore(%run_scoped3A : memref<!tpu.dma_semaphore, #tpu.memory_space<semaphore_mem>>)
      %dma_wait3A_246 = arith.constant 0 : i32
      %dma_wait3A_247 = tpu.memref_slice %arg10[%mul3A_2, %dma_wait3A_246] : memref<10112x16xf32, #tpu.memory_space<vmem_shared>> -> memref<632x16xf32, #tpu.memory_space<vmem_shared>>
      %dma_wait3A_248 = arith.constant 0 : i32
      %dma_wait3A_249 = tpu.memref_slice %arg2[%mul3A_2, %dma_wait3A_248] : memref<10112x16xf32, #tpu.memory_space<hbm>> -> memref<632x16xf32, #tpu.memory_space<hbm>>
      tpu.wait_dma2 semaphore(%run_scoped3A : memref<!tpu.dma_semaphore, #tpu.memory_space<semaphore_mem>>) src(%dma_wait3A_249 : memref<632x16xf32, #tpu.memory_space<hbm>>) dst(%dma_wait3A_247 : memref<632x16xf32, #tpu.memory_space<vmem_shared>>)
      tpu.yield
    }) : () -> ()
    "tpu.region"() ({
      %run_scoped3A = tpu.sem_alloc : memref<!tpu.dma_semaphore, #tpu.memory_space<semaphore_mem>>
      %dma_start3A_242 = arith.constant 0 : i32
      %dma_start3A_243 = tpu.memref_slice %arg11[%mul3A_2, %dma_start3A_242] : memref<10112x16xf32, #tpu.memory_space<vmem_shared>> -> memref<632x16xf32, #tpu.memory_space<vmem_shared>>
      %dma_start3A_244 = arith.constant 0 : i32
      %dma_start3A_245 = tpu.memref_slice %arg5[%mul3A_2, %dma_start3A_244] : memref<10112x16xf32, #tpu.memory_space<hbm>> -> memref<632x16xf32, #tpu.memory_space<hbm>>
      tpu.enqueue_dma source(%dma_start3A_245 : memref<632x16xf32, #tpu.memory_space<hbm>>) target(%dma_start3A_243 : memref<632x16xf32, #tpu.memory_space<vmem_shared>>) target_semaphore(%run_scoped3A : memref<!tpu.dma_semaphore, #tpu.memory_space<semaphore_mem>>)
      %dma_wait3A_246 = arith.constant 0 : i32
      %dma_wait3A_247 = tpu.memref_slice %arg11[%mul3A_2, %dma_wait3A_246] : memref<10112x16xf32, #tpu.memory_space<vmem_shared>> -> memref<632x16xf32, #tpu.memory_space<vmem_shared>>
      %dma_wait3A_248 = arith.constant 0 : i32
      %dma_wait3A_249 = tpu.memref_slice %arg5[%mul3A_2, %dma_wait3A_248] : memref<10112x16xf32, #tpu.memory_space<hbm>> -> memref<632x16xf32, #tpu.memory_space<hbm>>
      tpu.wait_dma2 semaphore(%run_scoped3A : memref<!tpu.dma_semaphore, #tpu.memory_space<semaphore_mem>>) src(%dma_wait3A_249 : memref<632x16xf32, #tpu.memory_space<hbm>>) dst(%dma_wait3A_247 : memref<632x16xf32, #tpu.memory_space<vmem_shared>>)
      tpu.yield
    }) : () -> ()
    %barrier3A = arith.constant 0 : index
    tpu.barrier barrier_id(%barrier3A)
    %dma_start3A = arith.constant 0 : i32
    %dma_start3A_3 = arith.constant 0 : i32
    %dma_start3A_4 = arith.constant 0 : i32
    %dma_start3A_5 = arith.constant 0 : i32
    %dma_start3A_6 = tpu.memref_slice %arg9[%dma_start3A_3, %dma_start3A_4, %dma_start3A_5] : memref<2x2048x16xf32, #tpu.memory_space<vmem>> -> memref<1x2048x16xf32, #tpu.memory_space<vmem>>
    %dma_start3A_7 = tpu.memref_squeeze %dma_start3A_6 : memref<1x2048x16xf32, #tpu.memory_space<vmem>> -> memref<2048x16xf32, #tpu.memory_space<vmem>>
    %dma_start3A_8 = arith.constant 0 : i32
    %dma_start3A_9 = tpu.memref_slice %arg7[%dma_start3A, %dma_start3A_8] : memref<5x2048xi32, #tpu.memory_space<vmem>> -> memref<1x2048xi32, #tpu.memory_space<vmem>>
    %dma_start3A_10 = tpu.memref_squeeze %dma_start3A_9 : memref<1x2048xi32, #tpu.memory_space<vmem>> -> memref<2048xi32, #tpu.memory_space<vmem>>
    %dma_start3A_11 = arith.constant 0 : i32
    %dma_start3A_12 = arith.constant 0 : i32
    %dma_start3A_13 = tpu.memref_slice %arg10[%dma_start3A_11, %dma_start3A_12] : memref<10112x16xf32, #tpu.memory_space<vmem_shared>> -> memref<10112x16xf32, #tpu.memory_space<vmem_shared>>
    tpu.enqueue_indirect_dma source(%dma_start3A_13 : memref<10112x16xf32, #tpu.memory_space<vmem_shared>>) target(%dma_start3A_7 : memref<2048x16xf32, #tpu.memory_space<vmem>>) offsets(%dma_start3A_10 : memref<2048xi32, #tpu.memory_space<vmem>>) semaphore(%arg12 : memref<!tpu.dma_semaphore, #tpu.memory_space<semaphore_mem>>)
    %dma_start3A_14 = arith.constant 1 : i32
    %dma_start3A_15 = arith.constant 1 : i32
    %dma_start3A_16 = arith.constant 0 : i32
    %dma_start3A_17 = arith.constant 0 : i32
    %dma_start3A_18 = tpu.memref_slice %arg9[%dma_start3A_15, %dma_start3A_16, %dma_start3A_17] : memref<2x2048x16xf32, #tpu.memory_space<vmem>> -> memref<1x2048x16xf32, #tpu.memory_space<vmem>>
    %dma_start3A_19 = tpu.memref_squeeze %dma_start3A_18 : memref<1x2048x16xf32, #tpu.memory_space<vmem>> -> memref<2048x16xf32, #tpu.memory_space<vmem>>
    %dma_start3A_20 = arith.constant 0 : i32
    %dma_start3A_21 = tpu.memref_slice %arg7[%dma_start3A_14, %dma_start3A_20] : memref<5x2048xi32, #tpu.memory_space<vmem>> -> memref<1x2048xi32, #tpu.memory_space<vmem>>
    %dma_start3A_22 = tpu.memref_squeeze %dma_start3A_21 : memref<1x2048xi32, #tpu.memory_space<vmem>> -> memref<2048xi32, #tpu.memory_space<vmem>>
    %dma_start3A_23 = arith.constant 0 : i32
    %dma_start3A_24 = arith.constant 0 : i32
    %dma_start3A_25 = tpu.memref_slice %arg10[%dma_start3A_23, %dma_start3A_24] : memref<10112x16xf32, #tpu.memory_space<vmem_shared>> -> memref<10112x16xf32, #tpu.memory_space<vmem_shared>>
    tpu.enqueue_indirect_dma source(%dma_start3A_25 : memref<10112x16xf32, #tpu.memory_space<vmem_shared>>) target(%dma_start3A_19 : memref<2048x16xf32, #tpu.memory_space<vmem>>) offsets(%dma_start3A_22 : memref<2048xi32, #tpu.memory_space<vmem>>) semaphore(%arg13 : memref<!tpu.dma_semaphore, #tpu.memory_space<semaphore_mem>>)
    %dma_wait3A = arith.constant 0 : i32
    %dma_wait3A_26 = arith.constant 0 : i32
    %dma_wait3A_27 = arith.constant 0 : i32
    %dma_wait3A_28 = arith.constant 0 : i32
    %dma_wait3A_29 = tpu.memref_slice %arg9[%dma_wait3A_26, %dma_wait3A_27, %dma_wait3A_28] : memref<2x2048x16xf32, #tpu.memory_space<vmem>> -> memref<1x2048x16xf32, #tpu.memory_space<vmem>>
    %dma_wait3A_30 = tpu.memref_squeeze %dma_wait3A_29 : memref<1x2048x16xf32, #tpu.memory_space<vmem>> -> memref<2048x16xf32, #tpu.memory_space<vmem>>
    %dma_wait3A_31 = arith.constant 0 : i32
    %dma_wait3A_32 = tpu.memref_slice %arg7[%dma_wait3A, %dma_wait3A_31] : memref<5x2048xi32, #tpu.memory_space<vmem>> -> memref<1x2048xi32, #tpu.memory_space<vmem>>
    %dma_wait3A_33 = tpu.memref_squeeze %dma_wait3A_32 : memref<1x2048xi32, #tpu.memory_space<vmem>> -> memref<2048xi32, #tpu.memory_space<vmem>>
    %dma_wait3A_34 = arith.constant 0 : i32
    %dma_wait3A_35 = arith.constant 0 : i32
    %dma_wait3A_36 = tpu.memref_slice %arg10[%dma_wait3A_34, %dma_wait3A_35] : memref<10112x16xf32, #tpu.memory_space<vmem_shared>> -> memref<10112x16xf32, #tpu.memory_space<vmem_shared>>
    tpu.wait_indirect_dma semaphore(%arg12 : memref<!tpu.dma_semaphore, #tpu.memory_space<semaphore_mem>>) src(%dma_wait3A_36 : memref<10112x16xf32, #tpu.memory_space<vmem_shared>>) dst(%dma_wait3A_30 : memref<2048x16xf32, #tpu.memory_space<vmem>>)
    %dma_start3A_37 = arith.constant 0 : i32
    %dma_start3A_38 = arith.constant 0 : i32
    %dma_start3A_39 = arith.constant 0 : i32
    %dma_start3A_40 = arith.constant 0 : i32
    %dma_start3A_41 = tpu.memref_slice %arg9[%dma_start3A_37, %dma_start3A_39, %dma_start3A_40] : memref<2x2048x16xf32, #tpu.memory_space<vmem>> -> memref<1x2048x16xf32, #tpu.memory_space<vmem>>
    %dma_start3A_42 = tpu.memref_squeeze %dma_start3A_41 : memref<1x2048x16xf32, #tpu.memory_space<vmem>> -> memref<2048x16xf32, #tpu.memory_space<vmem>>
    %dma_start3A_43 = arith.constant 0 : i32
    %dma_start3A_44 = tpu.memref_slice %arg8[%dma_start3A_38, %dma_start3A_43] : memref<5x2048xi32, #tpu.memory_space<vmem>> -> memref<1x2048xi32, #tpu.memory_space<vmem>>
    %dma_start3A_45 = tpu.memref_squeeze %dma_start3A_44 : memref<1x2048xi32, #tpu.memory_space<vmem>> -> memref<2048xi32, #tpu.memory_space<vmem>>
    %dma_start3A_46 = arith.constant 0 : i32
    %dma_start3A_47 = arith.constant 0 : i32
    %dma_start3A_48 = tpu.memref_slice %arg11[%dma_start3A_46, %dma_start3A_47] : memref<10112x16xf32, #tpu.memory_space<vmem_shared>> -> memref<10112x16xf32, #tpu.memory_space<vmem_shared>>
    tpu.enqueue_indirect_dma source(%dma_start3A_42 : memref<2048x16xf32, #tpu.memory_space<vmem>>) target(%dma_start3A_48 : memref<10112x16xf32, #tpu.memory_space<vmem_shared>>) offsets(%dma_start3A_45 : memref<2048xi32, #tpu.memory_space<vmem>>) semaphore(%arg14 : memref<!tpu.dma_semaphore, #tpu.memory_space<semaphore_mem>>) {add = true}
    %dma_wait3A_49 = arith.constant 1 : i32
    %dma_wait3A_50 = arith.constant 1 : i32
    %dma_wait3A_51 = arith.constant 0 : i32
    %dma_wait3A_52 = arith.constant 0 : i32
    %dma_wait3A_53 = tpu.memref_slice %arg9[%dma_wait3A_50, %dma_wait3A_51, %dma_wait3A_52] : memref<2x2048x16xf32, #tpu.memory_space<vmem>> -> memref<1x2048x16xf32, #tpu.memory_space<vmem>>
    %dma_wait3A_54 = tpu.memref_squeeze %dma_wait3A_53 : memref<1x2048x16xf32, #tpu.memory_space<vmem>> -> memref<2048x16xf32, #tpu.memory_space<vmem>>
    %dma_wait3A_55 = arith.constant 0 : i32
    %dma_wait3A_56 = tpu.memref_slice %arg7[%dma_wait3A_49, %dma_wait3A_55] : memref<5x2048xi32, #tpu.memory_space<vmem>> -> memref<1x2048xi32, #tpu.memory_space<vmem>>
    %dma_wait3A_57 = tpu.memref_squeeze %dma_wait3A_56 : memref<1x2048xi32, #tpu.memory_space<vmem>> -> memref<2048xi32, #tpu.memory_space<vmem>>
    %dma_wait3A_58 = arith.constant 0 : i32
    %dma_wait3A_59 = arith.constant 0 : i32
    %dma_wait3A_60 = tpu.memref_slice %arg10[%dma_wait3A_58, %dma_wait3A_59] : memref<10112x16xf32, #tpu.memory_space<vmem_shared>> -> memref<10112x16xf32, #tpu.memory_space<vmem_shared>>
    tpu.wait_indirect_dma semaphore(%arg13 : memref<!tpu.dma_semaphore, #tpu.memory_space<semaphore_mem>>) src(%dma_wait3A_60 : memref<10112x16xf32, #tpu.memory_space<vmem_shared>>) dst(%dma_wait3A_54 : memref<2048x16xf32, #tpu.memory_space<vmem>>)
    %dma_start3A_61 = arith.constant 1 : i32
    %dma_start3A_62 = arith.constant 1 : i32
    %dma_start3A_63 = arith.constant 0 : i32
    %dma_start3A_64 = arith.constant 0 : i32
    %dma_start3A_65 = tpu.memref_slice %arg9[%dma_start3A_61, %dma_start3A_63, %dma_start3A_64] : memref<2x2048x16xf32, #tpu.memory_space<vmem>> -> memref<1x2048x16xf32, #tpu.memory_space<vmem>>
    %dma_start3A_66 = tpu.memref_squeeze %dma_start3A_65 : memref<1x2048x16xf32, #tpu.memory_space<vmem>> -> memref<2048x16xf32, #tpu.memory_space<vmem>>
    %dma_start3A_67 = arith.constant 0 : i32
    %dma_start3A_68 = tpu.memref_slice %arg8[%dma_start3A_62, %dma_start3A_67] : memref<5x2048xi32, #tpu.memory_space<vmem>> -> memref<1x2048xi32, #tpu.memory_space<vmem>>
    %dma_start3A_69 = tpu.memref_squeeze %dma_start3A_68 : memref<1x2048xi32, #tpu.memory_space<vmem>> -> memref<2048xi32, #tpu.memory_space<vmem>>
    %dma_start3A_70 = arith.constant 0 : i32
    %dma_start3A_71 = arith.constant 0 : i32
    %dma_start3A_72 = tpu.memref_slice %arg11[%dma_start3A_70, %dma_start3A_71] : memref<10112x16xf32, #tpu.memory_space<vmem_shared>> -> memref<10112x16xf32, #tpu.memory_space<vmem_shared>>
    tpu.enqueue_indirect_dma source(%dma_start3A_66 : memref<2048x16xf32, #tpu.memory_space<vmem>>) target(%dma_start3A_72 : memref<10112x16xf32, #tpu.memory_space<vmem_shared>>) offsets(%dma_start3A_69 : memref<2048xi32, #tpu.memory_space<vmem>>) semaphore(%arg15 : memref<!tpu.dma_semaphore, #tpu.memory_space<semaphore_mem>>) {add = true}
    %dma_wait3A_73 = arith.constant 0 : i32
    %dma_wait3A_74 = arith.constant 0 : i32
    %dma_wait3A_75 = arith.constant 0 : i32
    %dma_wait3A_76 = arith.constant 0 : i32
    %dma_wait3A_77 = tpu.memref_slice %arg9[%dma_wait3A_73, %dma_wait3A_75, %dma_wait3A_76] : memref<2x2048x16xf32, #tpu.memory_space<vmem>> -> memref<1x2048x16xf32, #tpu.memory_space<vmem>>
    %dma_wait3A_78 = tpu.memref_squeeze %dma_wait3A_77 : memref<1x2048x16xf32, #tpu.memory_space<vmem>> -> memref<2048x16xf32, #tpu.memory_space<vmem>>
    %dma_wait3A_79 = arith.constant 0 : i32
    %dma_wait3A_80 = tpu.memref_slice %arg8[%dma_wait3A_74, %dma_wait3A_79] : memref<5x2048xi32, #tpu.memory_space<vmem>> -> memref<1x2048xi32, #tpu.memory_space<vmem>>
    %dma_wait3A_81 = tpu.memref_squeeze %dma_wait3A_80 : memref<1x2048xi32, #tpu.memory_space<vmem>> -> memref<2048xi32, #tpu.memory_space<vmem>>
    %dma_wait3A_82 = arith.constant 0 : i32
    %dma_wait3A_83 = arith.constant 0 : i32
    %dma_wait3A_84 = tpu.memref_slice %arg11[%dma_wait3A_82, %dma_wait3A_83] : memref<10112x16xf32, #tpu.memory_space<vmem_shared>> -> memref<10112x16xf32, #tpu.memory_space<vmem_shared>>
    tpu.wait_indirect_dma semaphore(%arg14 : memref<!tpu.dma_semaphore, #tpu.memory_space<semaphore_mem>>) src(%dma_wait3A_78 : memref<2048x16xf32, #tpu.memory_space<vmem>>) dst(%dma_wait3A_84 : memref<10112x16xf32, #tpu.memory_space<vmem_shared>>)
    %dma_start3A_85 = arith.constant 2 : i32
    %dma_start3A_86 = arith.constant 0 : i32
    %dma_start3A_87 = arith.constant 0 : i32
    %dma_start3A_88 = arith.constant 0 : i32
    %dma_start3A_89 = tpu.memref_slice %arg9[%dma_start3A_86, %dma_start3A_87, %dma_start3A_88] : memref<2x2048x16xf32, #tpu.memory_space<vmem>> -> memref<1x2048x16xf32, #tpu.memory_space<vmem>>
    %dma_start3A_90 = tpu.memref_squeeze %dma_start3A_89 : memref<1x2048x16xf32, #tpu.memory_space<vmem>> -> memref<2048x16xf32, #tpu.memory_space<vmem>>
    %dma_start3A_91 = arith.constant 0 : i32
    %dma_start3A_92 = tpu.memref_slice %arg7[%dma_start3A_85, %dma_start3A_91] : memref<5x2048xi32, #tpu.memory_space<vmem>> -> memref<1x2048xi32, #tpu.memory_space<vmem>>
    %dma_start3A_93 = tpu.memref_squeeze %dma_start3A_92 : memref<1x2048xi32, #tpu.memory_space<vmem>> -> memref<2048xi32, #tpu.memory_space<vmem>>
    %dma_start3A_94 = arith.constant 0 : i32
    %dma_start3A_95 = arith.constant 0 : i32
    %dma_start3A_96 = tpu.memref_slice %arg10[%dma_start3A_94, %dma_start3A_95] : memref<10112x16xf32, #tpu.memory_space<vmem_shared>> -> memref<10112x16xf32, #tpu.memory_space<vmem_shared>>
    tpu.enqueue_indirect_dma source(%dma_start3A_96 : memref<10112x16xf32, #tpu.memory_space<vmem_shared>>) target(%dma_start3A_90 : memref<2048x16xf32, #tpu.memory_space<vmem>>) offsets(%dma_start3A_93 : memref<2048xi32, #tpu.memory_space<vmem>>) semaphore(%arg12 : memref<!tpu.dma_semaphore, #tpu.memory_space<semaphore_mem>>)
    %dma_wait3A_97 = arith.constant 2 : i32
    %dma_wait3A_98 = arith.constant 0 : i32
    %dma_wait3A_99 = arith.constant 0 : i32
    %dma_wait3A_100 = arith.constant 0 : i32
    %dma_wait3A_101 = tpu.memref_slice %arg9[%dma_wait3A_98, %dma_wait3A_99, %dma_wait3A_100] : memref<2x2048x16xf32, #tpu.memory_space<vmem>> -> memref<1x2048x16xf32, #tpu.memory_space<vmem>>
    %dma_wait3A_102 = tpu.memref_squeeze %dma_wait3A_101 : memref<1x2048x16xf32, #tpu.memory_space<vmem>> -> memref<2048x16xf32, #tpu.memory_space<vmem>>
    %dma_wait3A_103 = arith.constant 0 : i32
    %dma_wait3A_104 = tpu.memref_slice %arg7[%dma_wait3A_97, %dma_wait3A_103] : memref<5x2048xi32, #tpu.memory_space<vmem>> -> memref<1x2048xi32, #tpu.memory_space<vmem>>
    %dma_wait3A_105 = tpu.memref_squeeze %dma_wait3A_104 : memref<1x2048xi32, #tpu.memory_space<vmem>> -> memref<2048xi32, #tpu.memory_space<vmem>>
    %dma_wait3A_106 = arith.constant 0 : i32
    %dma_wait3A_107 = arith.constant 0 : i32
    %dma_wait3A_108 = tpu.memref_slice %arg10[%dma_wait3A_106, %dma_wait3A_107] : memref<10112x16xf32, #tpu.memory_space<vmem_shared>> -> memref<10112x16xf32, #tpu.memory_space<vmem_shared>>
    tpu.wait_indirect_dma semaphore(%arg12 : memref<!tpu.dma_semaphore, #tpu.memory_space<semaphore_mem>>) src(%dma_wait3A_108 : memref<10112x16xf32, #tpu.memory_space<vmem_shared>>) dst(%dma_wait3A_102 : memref<2048x16xf32, #tpu.memory_space<vmem>>)
    %dma_start3A_109 = arith.constant 0 : i32
    %dma_start3A_110 = arith.constant 2 : i32
    %dma_start3A_111 = arith.constant 0 : i32
    %dma_start3A_112 = arith.constant 0 : i32
    %dma_start3A_113 = tpu.memref_slice %arg9[%dma_start3A_109, %dma_start3A_111, %dma_start3A_112] : memref<2x2048x16xf32, #tpu.memory_space<vmem>> -> memref<1x2048x16xf32, #tpu.memory_space<vmem>>
    %dma_start3A_114 = tpu.memref_squeeze %dma_start3A_113 : memref<1x2048x16xf32, #tpu.memory_space<vmem>> -> memref<2048x16xf32, #tpu.memory_space<vmem>>
    %dma_start3A_115 = arith.constant 0 : i32
    %dma_start3A_116 = tpu.memref_slice %arg8[%dma_start3A_110, %dma_start3A_115] : memref<5x2048xi32, #tpu.memory_space<vmem>> -> memref<1x2048xi32, #tpu.memory_space<vmem>>
    %dma_start3A_117 = tpu.memref_squeeze %dma_start3A_116 : memref<1x2048xi32, #tpu.memory_space<vmem>> -> memref<2048xi32, #tpu.memory_space<vmem>>
    %dma_start3A_118 = arith.constant 0 : i32
    %dma_start3A_119 = arith.constant 0 : i32
    %dma_start3A_120 = tpu.memref_slice %arg11[%dma_start3A_118, %dma_start3A_119] : memref<10112x16xf32, #tpu.memory_space<vmem_shared>> -> memref<10112x16xf32, #tpu.memory_space<vmem_shared>>
    tpu.enqueue_indirect_dma source(%dma_start3A_114 : memref<2048x16xf32, #tpu.memory_space<vmem>>) target(%dma_start3A_120 : memref<10112x16xf32, #tpu.memory_space<vmem_shared>>) offsets(%dma_start3A_117 : memref<2048xi32, #tpu.memory_space<vmem>>) semaphore(%arg14 : memref<!tpu.dma_semaphore, #tpu.memory_space<semaphore_mem>>) {add = true}
    %dma_wait3A_121 = arith.constant 1 : i32
    %dma_wait3A_122 = arith.constant 1 : i32
    %dma_wait3A_123 = arith.constant 0 : i32
    %dma_wait3A_124 = arith.constant 0 : i32
    %dma_wait3A_125 = tpu.memref_slice %arg9[%dma_wait3A_121, %dma_wait3A_123, %dma_wait3A_124] : memref<2x2048x16xf32, #tpu.memory_space<vmem>> -> memref<1x2048x16xf32, #tpu.memory_space<vmem>>
    %dma_wait3A_126 = tpu.memref_squeeze %dma_wait3A_125 : memref<1x2048x16xf32, #tpu.memory_space<vmem>> -> memref<2048x16xf32, #tpu.memory_space<vmem>>
    %dma_wait3A_127 = arith.constant 0 : i32
    %dma_wait3A_128 = tpu.memref_slice %arg8[%dma_wait3A_122, %dma_wait3A_127] : memref<5x2048xi32, #tpu.memory_space<vmem>> -> memref<1x2048xi32, #tpu.memory_space<vmem>>
    %dma_wait3A_129 = tpu.memref_squeeze %dma_wait3A_128 : memref<1x2048xi32, #tpu.memory_space<vmem>> -> memref<2048xi32, #tpu.memory_space<vmem>>
    %dma_wait3A_130 = arith.constant 0 : i32
    %dma_wait3A_131 = arith.constant 0 : i32
    %dma_wait3A_132 = tpu.memref_slice %arg11[%dma_wait3A_130, %dma_wait3A_131] : memref<10112x16xf32, #tpu.memory_space<vmem_shared>> -> memref<10112x16xf32, #tpu.memory_space<vmem_shared>>
    tpu.wait_indirect_dma semaphore(%arg15 : memref<!tpu.dma_semaphore, #tpu.memory_space<semaphore_mem>>) src(%dma_wait3A_126 : memref<2048x16xf32, #tpu.memory_space<vmem>>) dst(%dma_wait3A_132 : memref<10112x16xf32, #tpu.memory_space<vmem_shared>>)
    %dma_start3A_133 = arith.constant 3 : i32
    %dma_start3A_134 = arith.constant 1 : i32
    %dma_start3A_135 = arith.constant 0 : i32
    %dma_start3A_136 = arith.constant 0 : i32
    %dma_start3A_137 = tpu.memref_slice %arg9[%dma_start3A_134, %dma_start3A_135, %dma_start3A_136] : memref<2x2048x16xf32, #tpu.memory_space<vmem>> -> memref<1x2048x16xf32, #tpu.memory_space<vmem>>
    %dma_start3A_138 = tpu.memref_squeeze %dma_start3A_137 : memref<1x2048x16xf32, #tpu.memory_space<vmem>> -> memref<2048x16xf32, #tpu.memory_space<vmem>>
    %dma_start3A_139 = arith.constant 0 : i32
    %dma_start3A_140 = tpu.memref_slice %arg7[%dma_start3A_133, %dma_start3A_139] : memref<5x2048xi32, #tpu.memory_space<vmem>> -> memref<1x2048xi32, #tpu.memory_space<vmem>>
    %dma_start3A_141 = tpu.memref_squeeze %dma_start3A_140 : memref<1x2048xi32, #tpu.memory_space<vmem>> -> memref<2048xi32, #tpu.memory_space<vmem>>
    %dma_start3A_142 = arith.constant 0 : i32
    %dma_start3A_143 = arith.constant 0 : i32
    %dma_start3A_144 = tpu.memref_slice %arg10[%dma_start3A_142, %dma_start3A_143] : memref<10112x16xf32, #tpu.memory_space<vmem_shared>> -> memref<10112x16xf32, #tpu.memory_space<vmem_shared>>
    tpu.enqueue_indirect_dma source(%dma_start3A_144 : memref<10112x16xf32, #tpu.memory_space<vmem_shared>>) target(%dma_start3A_138 : memref<2048x16xf32, #tpu.memory_space<vmem>>) offsets(%dma_start3A_141 : memref<2048xi32, #tpu.memory_space<vmem>>) semaphore(%arg13 : memref<!tpu.dma_semaphore, #tpu.memory_space<semaphore_mem>>)
    %dma_wait3A_145 = arith.constant 3 : i32
    %dma_wait3A_146 = arith.constant 1 : i32
    %dma_wait3A_147 = arith.constant 0 : i32
    %dma_wait3A_148 = arith.constant 0 : i32
    %dma_wait3A_149 = tpu.memref_slice %arg9[%dma_wait3A_146, %dma_wait3A_147, %dma_wait3A_148] : memref<2x2048x16xf32, #tpu.memory_space<vmem>> -> memref<1x2048x16xf32, #tpu.memory_space<vmem>>
    %dma_wait3A_150 = tpu.memref_squeeze %dma_wait3A_149 : memref<1x2048x16xf32, #tpu.memory_space<vmem>> -> memref<2048x16xf32, #tpu.memory_space<vmem>>
    %dma_wait3A_151 = arith.constant 0 : i32
    %dma_wait3A_152 = tpu.memref_slice %arg7[%dma_wait3A_145, %dma_wait3A_151] : memref<5x2048xi32, #tpu.memory_space<vmem>> -> memref<1x2048xi32, #tpu.memory_space<vmem>>
    %dma_wait3A_153 = tpu.memref_squeeze %dma_wait3A_152 : memref<1x2048xi32, #tpu.memory_space<vmem>> -> memref<2048xi32, #tpu.memory_space<vmem>>
    %dma_wait3A_154 = arith.constant 0 : i32
    %dma_wait3A_155 = arith.constant 0 : i32
    %dma_wait3A_156 = tpu.memref_slice %arg10[%dma_wait3A_154, %dma_wait3A_155] : memref<10112x16xf32, #tpu.memory_space<vmem_shared>> -> memref<10112x16xf32, #tpu.memory_space<vmem_shared>>
    tpu.wait_indirect_dma semaphore(%arg13 : memref<!tpu.dma_semaphore, #tpu.memory_space<semaphore_mem>>) src(%dma_wait3A_156 : memref<10112x16xf32, #tpu.memory_space<vmem_shared>>) dst(%dma_wait3A_150 : memref<2048x16xf32, #tpu.memory_space<vmem>>)
    %dma_start3A_157 = arith.constant 1 : i32
    %dma_start3A_158 = arith.constant 3 : i32
    %dma_start3A_159 = arith.constant 0 : i32
    %dma_start3A_160 = arith.constant 0 : i32
    %dma_start3A_161 = tpu.memref_slice %arg9[%dma_start3A_157, %dma_start3A_159, %dma_start3A_160] : memref<2x2048x16xf32, #tpu.memory_space<vmem>> -> memref<1x2048x16xf32, #tpu.memory_space<vmem>>
    %dma_start3A_162 = tpu.memref_squeeze %dma_start3A_161 : memref<1x2048x16xf32, #tpu.memory_space<vmem>> -> memref<2048x16xf32, #tpu.memory_space<vmem>>
    %dma_start3A_163 = arith.constant 0 : i32
    %dma_start3A_164 = tpu.memref_slice %arg8[%dma_start3A_158, %dma_start3A_163] : memref<5x2048xi32, #tpu.memory_space<vmem>> -> memref<1x2048xi32, #tpu.memory_space<vmem>>
    %dma_start3A_165 = tpu.memref_squeeze %dma_start3A_164 : memref<1x2048xi32, #tpu.memory_space<vmem>> -> memref<2048xi32, #tpu.memory_space<vmem>>
    %dma_start3A_166 = arith.constant 0 : i32
    %dma_start3A_167 = arith.constant 0 : i32
    %dma_start3A_168 = tpu.memref_slice %arg11[%dma_start3A_166, %dma_start3A_167] : memref<10112x16xf32, #tpu.memory_space<vmem_shared>> -> memref<10112x16xf32, #tpu.memory_space<vmem_shared>>
    tpu.enqueue_indirect_dma source(%dma_start3A_162 : memref<2048x16xf32, #tpu.memory_space<vmem>>) target(%dma_start3A_168 : memref<10112x16xf32, #tpu.memory_space<vmem_shared>>) offsets(%dma_start3A_165 : memref<2048xi32, #tpu.memory_space<vmem>>) semaphore(%arg15 : memref<!tpu.dma_semaphore, #tpu.memory_space<semaphore_mem>>) {add = true}
    %dma_wait3A_169 = arith.constant 0 : i32
    %dma_wait3A_170 = arith.constant 2 : i32
    %dma_wait3A_171 = arith.constant 0 : i32
    %dma_wait3A_172 = arith.constant 0 : i32
    %dma_wait3A_173 = tpu.memref_slice %arg9[%dma_wait3A_169, %dma_wait3A_171, %dma_wait3A_172] : memref<2x2048x16xf32, #tpu.memory_space<vmem>> -> memref<1x2048x16xf32, #tpu.memory_space<vmem>>
    %dma_wait3A_174 = tpu.memref_squeeze %dma_wait3A_173 : memref<1x2048x16xf32, #tpu.memory_space<vmem>> -> memref<2048x16xf32, #tpu.memory_space<vmem>>
    %dma_wait3A_175 = arith.constant 0 : i32
    %dma_wait3A_176 = tpu.memref_slice %arg8[%dma_wait3A_170, %dma_wait3A_175] : memref<5x2048xi32, #tpu.memory_space<vmem>> -> memref<1x2048xi32, #tpu.memory_space<vmem>>
    %dma_wait3A_177 = tpu.memref_squeeze %dma_wait3A_176 : memref<1x2048xi32, #tpu.memory_space<vmem>> -> memref<2048xi32, #tpu.memory_space<vmem>>
    %dma_wait3A_178 = arith.constant 0 : i32
    %dma_wait3A_179 = arith.constant 0 : i32
    %dma_wait3A_180 = tpu.memref_slice %arg11[%dma_wait3A_178, %dma_wait3A_179] : memref<10112x16xf32, #tpu.memory_space<vmem_shared>> -> memref<10112x16xf32, #tpu.memory_space<vmem_shared>>
    tpu.wait_indirect_dma semaphore(%arg14 : memref<!tpu.dma_semaphore, #tpu.memory_space<semaphore_mem>>) src(%dma_wait3A_174 : memref<2048x16xf32, #tpu.memory_space<vmem>>) dst(%dma_wait3A_180 : memref<10112x16xf32, #tpu.memory_space<vmem_shared>>)
    %dma_start3A_181 = arith.constant 4 : i32
    %dma_start3A_182 = arith.constant 0 : i32
    %dma_start3A_183 = arith.constant 0 : i32
    %dma_start3A_184 = arith.constant 0 : i32
    %dma_start3A_185 = tpu.memref_slice %arg9[%dma_start3A_182, %dma_start3A_183, %dma_start3A_184] : memref<2x2048x16xf32, #tpu.memory_space<vmem>> -> memref<1x2048x16xf32, #tpu.memory_space<vmem>>
    %dma_start3A_186 = tpu.memref_squeeze %dma_start3A_185 : memref<1x2048x16xf32, #tpu.memory_space<vmem>> -> memref<2048x16xf32, #tpu.memory_space<vmem>>
    %dma_start3A_187 = arith.constant 0 : i32
    %dma_start3A_188 = tpu.memref_slice %arg7[%dma_start3A_181, %dma_start3A_187] : memref<5x2048xi32, #tpu.memory_space<vmem>> -> memref<1x2048xi32, #tpu.memory_space<vmem>>
    %dma_start3A_189 = tpu.memref_squeeze %dma_start3A_188 : memref<1x2048xi32, #tpu.memory_space<vmem>> -> memref<2048xi32, #tpu.memory_space<vmem>>
    %dma_start3A_190 = arith.constant 0 : i32
    %dma_start3A_191 = arith.constant 0 : i32
    %dma_start3A_192 = tpu.memref_slice %arg10[%dma_start3A_190, %dma_start3A_191] : memref<10112x16xf32, #tpu.memory_space<vmem_shared>> -> memref<10112x16xf32, #tpu.memory_space<vmem_shared>>
    tpu.enqueue_indirect_dma source(%dma_start3A_192 : memref<10112x16xf32, #tpu.memory_space<vmem_shared>>) target(%dma_start3A_186 : memref<2048x16xf32, #tpu.memory_space<vmem>>) offsets(%dma_start3A_189 : memref<2048xi32, #tpu.memory_space<vmem>>) semaphore(%arg12 : memref<!tpu.dma_semaphore, #tpu.memory_space<semaphore_mem>>)
    %dma_wait3A_193 = arith.constant 4 : i32
    %dma_wait3A_194 = arith.constant 0 : i32
    %dma_wait3A_195 = arith.constant 0 : i32
    %dma_wait3A_196 = arith.constant 0 : i32
    %dma_wait3A_197 = tpu.memref_slice %arg9[%dma_wait3A_194, %dma_wait3A_195, %dma_wait3A_196] : memref<2x2048x16xf32, #tpu.memory_space<vmem>> -> memref<1x2048x16xf32, #tpu.memory_space<vmem>>
    %dma_wait3A_198 = tpu.memref_squeeze %dma_wait3A_197 : memref<1x2048x16xf32, #tpu.memory_space<vmem>> -> memref<2048x16xf32, #tpu.memory_space<vmem>>
    %dma_wait3A_199 = arith.constant 0 : i32
    %dma_wait3A_200 = tpu.memref_slice %arg7[%dma_wait3A_193, %dma_wait3A_199] : memref<5x2048xi32, #tpu.memory_space<vmem>> -> memref<1x2048xi32, #tpu.memory_space<vmem>>
    %dma_wait3A_201 = tpu.memref_squeeze %dma_wait3A_200 : memref<1x2048xi32, #tpu.memory_space<vmem>> -> memref<2048xi32, #tpu.memory_space<vmem>>
    %dma_wait3A_202 = arith.constant 0 : i32
    %dma_wait3A_203 = arith.constant 0 : i32
    %dma_wait3A_204 = tpu.memref_slice %arg10[%dma_wait3A_202, %dma_wait3A_203] : memref<10112x16xf32, #tpu.memory_space<vmem_shared>> -> memref<10112x16xf32, #tpu.memory_space<vmem_shared>>
    tpu.wait_indirect_dma semaphore(%arg12 : memref<!tpu.dma_semaphore, #tpu.memory_space<semaphore_mem>>) src(%dma_wait3A_204 : memref<10112x16xf32, #tpu.memory_space<vmem_shared>>) dst(%dma_wait3A_198 : memref<2048x16xf32, #tpu.memory_space<vmem>>)
    %dma_start3A_205 = arith.constant 0 : i32
    %dma_start3A_206 = arith.constant 4 : i32
    %dma_start3A_207 = arith.constant 0 : i32
    %dma_start3A_208 = arith.constant 0 : i32
    %dma_start3A_209 = tpu.memref_slice %arg9[%dma_start3A_205, %dma_start3A_207, %dma_start3A_208] : memref<2x2048x16xf32, #tpu.memory_space<vmem>> -> memref<1x2048x16xf32, #tpu.memory_space<vmem>>
    %dma_start3A_210 = tpu.memref_squeeze %dma_start3A_209 : memref<1x2048x16xf32, #tpu.memory_space<vmem>> -> memref<2048x16xf32, #tpu.memory_space<vmem>>
    %dma_start3A_211 = arith.constant 0 : i32
    %dma_start3A_212 = tpu.memref_slice %arg8[%dma_start3A_206, %dma_start3A_211] : memref<5x2048xi32, #tpu.memory_space<vmem>> -> memref<1x2048xi32, #tpu.memory_space<vmem>>
    %dma_start3A_213 = tpu.memref_squeeze %dma_start3A_212 : memref<1x2048xi32, #tpu.memory_space<vmem>> -> memref<2048xi32, #tpu.memory_space<vmem>>
    %dma_start3A_214 = arith.constant 0 : i32
    %dma_start3A_215 = arith.constant 0 : i32
    %dma_start3A_216 = tpu.memref_slice %arg11[%dma_start3A_214, %dma_start3A_215] : memref<10112x16xf32, #tpu.memory_space<vmem_shared>> -> memref<10112x16xf32, #tpu.memory_space<vmem_shared>>
    tpu.enqueue_indirect_dma source(%dma_start3A_210 : memref<2048x16xf32, #tpu.memory_space<vmem>>) target(%dma_start3A_216 : memref<10112x16xf32, #tpu.memory_space<vmem_shared>>) offsets(%dma_start3A_213 : memref<2048xi32, #tpu.memory_space<vmem>>) semaphore(%arg14 : memref<!tpu.dma_semaphore, #tpu.memory_space<semaphore_mem>>) {add = true}
    %dma_wait3A_217 = arith.constant 1 : i32
    %dma_wait3A_218 = arith.constant 3 : i32
    %dma_wait3A_219 = arith.constant 0 : i32
    %dma_wait3A_220 = arith.constant 0 : i32
    %dma_wait3A_221 = tpu.memref_slice %arg9[%dma_wait3A_217, %dma_wait3A_219, %dma_wait3A_220] : memref<2x2048x16xf32, #tpu.memory_space<vmem>> -> memref<1x2048x16xf32, #tpu.memory_space<vmem>>
    %dma_wait3A_222 = tpu.memref_squeeze %dma_wait3A_221 : memref<1x2048x16xf32, #tpu.memory_space<vmem>> -> memref<2048x16xf32, #tpu.memory_space<vmem>>
    %dma_wait3A_223 = arith.constant 0 : i32
    %dma_wait3A_224 = tpu.memref_slice %arg8[%dma_wait3A_218, %dma_wait3A_223] : memref<5x2048xi32, #tpu.memory_space<vmem>> -> memref<1x2048xi32, #tpu.memory_space<vmem>>
    %dma_wait3A_225 = tpu.memref_squeeze %dma_wait3A_224 : memref<1x2048xi32, #tpu.memory_space<vmem>> -> memref<2048xi32, #tpu.memory_space<vmem>>
    %dma_wait3A_226 = arith.constant 0 : i32
    %dma_wait3A_227 = arith.constant 0 : i32
    %dma_wait3A_228 = tpu.memref_slice %arg11[%dma_wait3A_226, %dma_wait3A_227] : memref<10112x16xf32, #tpu.memory_space<vmem_shared>> -> memref<10112x16xf32, #tpu.memory_space<vmem_shared>>
    tpu.wait_indirect_dma semaphore(%arg15 : memref<!tpu.dma_semaphore, #tpu.memory_space<semaphore_mem>>) src(%dma_wait3A_222 : memref<2048x16xf32, #tpu.memory_space<vmem>>) dst(%dma_wait3A_228 : memref<10112x16xf32, #tpu.memory_space<vmem_shared>>)
    %dma_wait3A_229 = arith.constant 0 : i32
    %dma_wait3A_230 = arith.constant 4 : i32
    %dma_wait3A_231 = arith.constant 0 : i32
    %dma_wait3A_232 = arith.constant 0 : i32
    %dma_wait3A_233 = tpu.memref_slice %arg9[%dma_wait3A_229, %dma_wait3A_231, %dma_wait3A_232] : memref<2x2048x16xf32, #tpu.memory_space<vmem>> -> memref<1x2048x16xf32, #tpu.memory_space<vmem>>
    %dma_wait3A_234 = tpu.memref_squeeze %dma_wait3A_233 : memref<1x2048x16xf32, #tpu.memory_space<vmem>> -> memref<2048x16xf32, #tpu.memory_space<vmem>>
    %dma_wait3A_235 = arith.constant 0 : i32
    %dma_wait3A_236 = tpu.memref_slice %arg8[%dma_wait3A_230, %dma_wait3A_235] : memref<5x2048xi32, #tpu.memory_space<vmem>> -> memref<1x2048xi32, #tpu.memory_space<vmem>>
    %dma_wait3A_237 = tpu.memref_squeeze %dma_wait3A_236 : memref<1x2048xi32, #tpu.memory_space<vmem>> -> memref<2048xi32, #tpu.memory_space<vmem>>
    %dma_wait3A_238 = arith.constant 0 : i32
    %dma_wait3A_239 = arith.constant 0 : i32
    %dma_wait3A_240 = tpu.memref_slice %arg11[%dma_wait3A_238, %dma_wait3A_239] : memref<10112x16xf32, #tpu.memory_space<vmem_shared>> -> memref<10112x16xf32, #tpu.memory_space<vmem_shared>>
    tpu.wait_indirect_dma semaphore(%arg14 : memref<!tpu.dma_semaphore, #tpu.memory_space<semaphore_mem>>) src(%dma_wait3A_234 : memref<2048x16xf32, #tpu.memory_space<vmem>>) dst(%dma_wait3A_240 : memref<10112x16xf32, #tpu.memory_space<vmem_shared>>)
    %barrier3A_241 = arith.constant 0 : index
    tpu.barrier barrier_id(%barrier3A_241)
    "tpu.region"() ({
      %run_scoped3A = tpu.sem_alloc : memref<!tpu.dma_semaphore, #tpu.memory_space<semaphore_mem>>
      %dma_start3A_242 = arith.constant 0 : i32
      %dma_start3A_243 = tpu.memref_slice %arg6[%arg0, %mul3A_2, %dma_start3A_242] : memref<2x10112x16xf32, #tpu.memory_space<hbm>> -> memref<1x632x16xf32, #tpu.memory_space<hbm>>
      %dma_start3A_244 = tpu.memref_squeeze %dma_start3A_243 : memref<1x632x16xf32, #tpu.memory_space<hbm>> -> memref<632x16xf32, #tpu.memory_space<hbm>>
      %dma_start3A_245 = arith.constant 0 : i32
      %dma_start3A_246 = tpu.memref_slice %arg11[%mul3A_2, %dma_start3A_245] : memref<10112x16xf32, #tpu.memory_space<vmem_shared>> -> memref<632x16xf32, #tpu.memory_space<vmem_shared>>
      tpu.enqueue_dma source(%dma_start3A_246 : memref<632x16xf32, #tpu.memory_space<vmem_shared>>) target(%dma_start3A_244 : memref<632x16xf32, #tpu.memory_space<hbm>>) target_semaphore(%run_scoped3A : memref<!tpu.dma_semaphore, #tpu.memory_space<semaphore_mem>>)
      %dma_wait3A_247 = arith.constant 0 : i32
      %dma_wait3A_248 = tpu.memref_slice %arg6[%arg0, %mul3A_2, %dma_wait3A_247] : memref<2x10112x16xf32, #tpu.memory_space<hbm>> -> memref<1x632x16xf32, #tpu.memory_space<hbm>>
      %dma_wait3A_249 = tpu.memref_squeeze %dma_wait3A_248 : memref<1x632x16xf32, #tpu.memory_space<hbm>> -> memref<632x16xf32, #tpu.memory_space<hbm>>
      %dma_wait3A_250 = arith.constant 0 : i32
      %dma_wait3A_251 = tpu.memref_slice %arg11[%mul3A_2, %dma_wait3A_250] : memref<10112x16xf32, #tpu.memory_space<vmem_shared>> -> memref<632x16xf32, #tpu.memory_space<vmem_shared>>
      tpu.wait_dma2 semaphore(%run_scoped3A : memref<!tpu.dma_semaphore, #tpu.memory_space<semaphore_mem>>) src(%dma_wait3A_251 : memref<632x16xf32, #tpu.memory_space<vmem_shared>>) dst(%dma_wait3A_249 : memref<632x16xf32, #tpu.memory_space<hbm>>)
      tpu.yield
    }) : () -> ()
    return
  }
}

#map = affine_map<(d0, d1) -> (0, 0, 0)>
#map1 = affine_map<(d0, d1) -> (0, 0)>
module attributes {stable_mosaic.version = 14 : i64} {
  func.func @deg_kernel(%arg0: i32, %arg1: i32, %arg2: memref<32x80x128xi32, #tpu.memory_space<hbm>>, %arg3: memref<128x16xf32, #tpu.memory_space<hbm>>, %arg4: memref<10112x16xf32, #tpu.memory_space<hbm>>, %arg5: memref<2x10112x16xf32, #tpu.memory_space<hbm>>, %arg6: memref<80x128xi32, #tpu.memory_space<vmem>>, %arg7: memref<128x16xf32, #tpu.memory_space<vmem>>, %arg8: memref<10112x16xf32, #tpu.memory_space<vmem_shared>>, %arg9: memref<!tpu.dma_semaphore, #tpu.memory_space<semaphore_mem>>, %arg10: memref<!tpu.dma_semaphore, #tpu.memory_space<semaphore_mem>>, %arg11: memref<!tpu.dma_semaphore, #tpu.memory_space<semaphore_mem>>, %arg12: memref<!tpu.dma_semaphore, #tpu.memory_space<semaphore_mem>>) attributes {dimension_semantics = [#tpu.dimension_semantics<core_parallel>, #tpu.dimension_semantics<subcore_parallel>], iteration_bounds = array<i64: 2, 16>, scalar_prefetch = 0 : i64, scratch_operands = 7 : i64, tpu.core_type = #tpu.core_type<sc_vector_subcore>, window_params = [{transform_indices = #map}, {transform_indices = #map1}, {transform_indices = #map1}, {transform_indices = #map}]} {
    %mul3A = arith.constant 16 : i32
    %mul3A_0 = arith.muli %arg0, %mul3A : i32
    %add3A = arith.addi %mul3A_0, %arg1 : i32
    "tpu.region"() ({
      %run_scoped3A = tpu.sem_alloc : memref<!tpu.dma_semaphore, #tpu.memory_space<semaphore_mem>>
      %dma_start3A_41 = arith.constant 0 : i32
      %dma_start3A_42 = arith.constant 0 : i32
      %dma_start3A_43 = tpu.memref_slice %arg2[%add3A, %dma_start3A_41, %dma_start3A_42] : memref<32x80x128xi32, #tpu.memory_space<hbm>> -> memref<1x80x128xi32, #tpu.memory_space<hbm>>
      %dma_start3A_44 = tpu.memref_squeeze %dma_start3A_43 : memref<1x80x128xi32, #tpu.memory_space<hbm>> -> memref<80x128xi32, #tpu.memory_space<hbm>>
      %dma_start3A_45 = arith.constant 0 : i32
      %dma_start3A_46 = arith.constant 0 : i32
      %dma_start3A_47 = tpu.memref_slice %arg2[%add3A, %dma_start3A_45, %dma_start3A_46] : memref<32x80x128xi32, #tpu.memory_space<hbm>> -> memref<1x80x128xi32, #tpu.memory_space<hbm>>
      %dma_start3A_48 = tpu.memref_squeeze %dma_start3A_47 : memref<1x80x128xi32, #tpu.memory_space<hbm>> -> memref<80x128xi32, #tpu.memory_space<hbm>>
      tpu.enqueue_dma source(%dma_start3A_48 : memref<80x128xi32, #tpu.memory_space<hbm>>) target(%arg6 : memref<80x128xi32, #tpu.memory_space<vmem>>) target_semaphore(%run_scoped3A : memref<!tpu.dma_semaphore, #tpu.memory_space<semaphore_mem>>)
      %dma_wait3A = arith.constant 0 : i32
      %dma_wait3A_49 = arith.constant 0 : i32
      %dma_wait3A_50 = tpu.memref_slice %arg2[%add3A, %dma_wait3A, %dma_wait3A_49] : memref<32x80x128xi32, #tpu.memory_space<hbm>> -> memref<1x80x128xi32, #tpu.memory_space<hbm>>
      %dma_wait3A_51 = tpu.memref_squeeze %dma_wait3A_50 : memref<1x80x128xi32, #tpu.memory_space<hbm>> -> memref<80x128xi32, #tpu.memory_space<hbm>>
      %dma_wait3A_52 = arith.constant 0 : i32
      %dma_wait3A_53 = arith.constant 0 : i32
      %dma_wait3A_54 = tpu.memref_slice %arg2[%add3A, %dma_wait3A_52, %dma_wait3A_53] : memref<32x80x128xi32, #tpu.memory_space<hbm>> -> memref<1x80x128xi32, #tpu.memory_space<hbm>>
      %dma_wait3A_55 = tpu.memref_squeeze %dma_wait3A_54 : memref<1x80x128xi32, #tpu.memory_space<hbm>> -> memref<80x128xi32, #tpu.memory_space<hbm>>
      tpu.wait_dma2 semaphore(%run_scoped3A : memref<!tpu.dma_semaphore, #tpu.memory_space<semaphore_mem>>) src(%dma_wait3A_55 : memref<80x128xi32, #tpu.memory_space<hbm>>) dst(%arg6 : memref<80x128xi32, #tpu.memory_space<vmem>>)
      tpu.yield
    }) : () -> ()
    "tpu.region"() ({
      %run_scoped3A = tpu.sem_alloc : memref<!tpu.dma_semaphore, #tpu.memory_space<semaphore_mem>>
      tpu.enqueue_dma source(%arg3 : memref<128x16xf32, #tpu.memory_space<hbm>>) target(%arg7 : memref<128x16xf32, #tpu.memory_space<vmem>>) target_semaphore(%run_scoped3A : memref<!tpu.dma_semaphore, #tpu.memory_space<semaphore_mem>>)
      tpu.wait_dma2 semaphore(%run_scoped3A : memref<!tpu.dma_semaphore, #tpu.memory_space<semaphore_mem>>) src(%arg3 : memref<128x16xf32, #tpu.memory_space<hbm>>) dst(%arg7 : memref<128x16xf32, #tpu.memory_space<vmem>>)
      tpu.yield
    }) : () -> ()
    %mul3A_1 = arith.constant 632 : i32
    %mul3A_2 = arith.muli %arg1, %mul3A_1 : i32
    %mul3A_3 = arith.constant 632 : i32
    %mul3A_4 = arith.muli %arg1, %mul3A_3 : i32
    "tpu.region"() ({
      %run_scoped3A = tpu.sem_alloc : memref<!tpu.dma_semaphore, #tpu.memory_space<semaphore_mem>>
      %dma_start3A_41 = arith.constant 0 : i32
      %dma_start3A_42 = tpu.memref_slice %arg8[%mul3A_4, %dma_start3A_41] : memref<10112x16xf32, #tpu.memory_space<vmem_shared>> -> memref<632x16xf32, #tpu.memory_space<vmem_shared>>
      %dma_start3A_43 = arith.constant 0 : i32
      %dma_start3A_44 = tpu.memref_slice %arg4[%mul3A_2, %dma_start3A_43] : memref<10112x16xf32, #tpu.memory_space<hbm>> -> memref<632x16xf32, #tpu.memory_space<hbm>>
      tpu.enqueue_dma source(%dma_start3A_44 : memref<632x16xf32, #tpu.memory_space<hbm>>) target(%dma_start3A_42 : memref<632x16xf32, #tpu.memory_space<vmem_shared>>) target_semaphore(%run_scoped3A : memref<!tpu.dma_semaphore, #tpu.memory_space<semaphore_mem>>)
      %dma_wait3A = arith.constant 0 : i32
      %dma_wait3A_45 = tpu.memref_slice %arg8[%mul3A_4, %dma_wait3A] : memref<10112x16xf32, #tpu.memory_space<vmem_shared>> -> memref<632x16xf32, #tpu.memory_space<vmem_shared>>
      %dma_wait3A_46 = arith.constant 0 : i32
      %dma_wait3A_47 = tpu.memref_slice %arg4[%mul3A_2, %dma_wait3A_46] : memref<10112x16xf32, #tpu.memory_space<hbm>> -> memref<632x16xf32, #tpu.memory_space<hbm>>
      tpu.wait_dma2 semaphore(%run_scoped3A : memref<!tpu.dma_semaphore, #tpu.memory_space<semaphore_mem>>) src(%dma_wait3A_47 : memref<632x16xf32, #tpu.memory_space<hbm>>) dst(%dma_wait3A_45 : memref<632x16xf32, #tpu.memory_space<vmem_shared>>)
      tpu.yield
    }) : () -> ()
    %barrier3A = arith.constant 0 : index
    tpu.barrier barrier_id(%barrier3A)
    %dma_start3A = arith.constant 0 : i32
    %dma_start3A_5 = arith.constant 0 : i32
    %dma_start3A_6 = tpu.memref_slice %arg6[%dma_start3A, %dma_start3A_5] : memref<80x128xi32, #tpu.memory_space<vmem>> -> memref<1x128xi32, #tpu.memory_space<vmem>>
    %dma_start3A_7 = tpu.memref_squeeze %dma_start3A_6 : memref<1x128xi32, #tpu.memory_space<vmem>> -> memref<128xi32, #tpu.memory_space<vmem>>
    %dma_start3A_8 = arith.constant 0 : i32
    %dma_start3A_9 = arith.constant 0 : i32
    %dma_start3A_10 = tpu.memref_slice %arg8[%dma_start3A_8, %dma_start3A_9] : memref<10112x16xf32, #tpu.memory_space<vmem_shared>> -> memref<10112x16xf32, #tpu.memory_space<vmem_shared>>
    tpu.enqueue_indirect_dma source(%arg7 : memref<128x16xf32, #tpu.memory_space<vmem>>) target(%dma_start3A_10 : memref<10112x16xf32, #tpu.memory_space<vmem_shared>>) offsets(%dma_start3A_7 : memref<128xi32, #tpu.memory_space<vmem>>) semaphore(%arg9 : memref<!tpu.dma_semaphore, #tpu.memory_space<semaphore_mem>>) {add = true}
    %dma_start3A_11 = arith.constant 1 : i32
    %dma_start3A_12 = arith.constant 0 : i32
    %dma_start3A_13 = tpu.memref_slice %arg6[%dma_start3A_11, %dma_start3A_12] : memref<80x128xi32, #tpu.memory_space<vmem>> -> memref<1x128xi32, #tpu.memory_space<vmem>>
    %dma_start3A_14 = tpu.memref_squeeze %dma_start3A_13 : memref<1x128xi32, #tpu.memory_space<vmem>> -> memref<128xi32, #tpu.memory_space<vmem>>
    %dma_start3A_15 = arith.constant 0 : i32
    %dma_start3A_16 = arith.constant 0 : i32
    %dma_start3A_17 = tpu.memref_slice %arg8[%dma_start3A_15, %dma_start3A_16] : memref<10112x16xf32, #tpu.memory_space<vmem_shared>> -> memref<10112x16xf32, #tpu.memory_space<vmem_shared>>
    tpu.enqueue_indirect_dma source(%arg7 : memref<128x16xf32, #tpu.memory_space<vmem>>) target(%dma_start3A_17 : memref<10112x16xf32, #tpu.memory_space<vmem_shared>>) offsets(%dma_start3A_14 : memref<128xi32, #tpu.memory_space<vmem>>) semaphore(%arg10 : memref<!tpu.dma_semaphore, #tpu.memory_space<semaphore_mem>>) {add = true}
    %dma_start3A_18 = arith.constant 2 : i32
    %dma_start3A_19 = arith.constant 0 : i32
    %dma_start3A_20 = tpu.memref_slice %arg6[%dma_start3A_18, %dma_start3A_19] : memref<80x128xi32, #tpu.memory_space<vmem>> -> memref<1x128xi32, #tpu.memory_space<vmem>>
    %dma_start3A_21 = tpu.memref_squeeze %dma_start3A_20 : memref<1x128xi32, #tpu.memory_space<vmem>> -> memref<128xi32, #tpu.memory_space<vmem>>
    %dma_start3A_22 = arith.constant 0 : i32
    %dma_start3A_23 = arith.constant 0 : i32
    %dma_start3A_24 = tpu.memref_slice %arg8[%dma_start3A_22, %dma_start3A_23] : memref<10112x16xf32, #tpu.memory_space<vmem_shared>> -> memref<10112x16xf32, #tpu.memory_space<vmem_shared>>
    tpu.enqueue_indirect_dma source(%arg7 : memref<128x16xf32, #tpu.memory_space<vmem>>) target(%dma_start3A_24 : memref<10112x16xf32, #tpu.memory_space<vmem_shared>>) offsets(%dma_start3A_21 : memref<128xi32, #tpu.memory_space<vmem>>) semaphore(%arg11 : memref<!tpu.dma_semaphore, #tpu.memory_space<semaphore_mem>>) {add = true}
    %dma_start3A_25 = arith.constant 3 : i32
    %dma_start3A_26 = arith.constant 0 : i32
    %dma_start3A_27 = tpu.memref_slice %arg6[%dma_start3A_25, %dma_start3A_26] : memref<80x128xi32, #tpu.memory_space<vmem>> -> memref<1x128xi32, #tpu.memory_space<vmem>>
    %dma_start3A_28 = tpu.memref_squeeze %dma_start3A_27 : memref<1x128xi32, #tpu.memory_space<vmem>> -> memref<128xi32, #tpu.memory_space<vmem>>
    %dma_start3A_29 = arith.constant 0 : i32
    %dma_start3A_30 = arith.constant 0 : i32
    %dma_start3A_31 = tpu.memref_slice %arg8[%dma_start3A_29, %dma_start3A_30] : memref<10112x16xf32, #tpu.memory_space<vmem_shared>> -> memref<10112x16xf32, #tpu.memory_space<vmem_shared>>
    tpu.enqueue_indirect_dma source(%arg7 : memref<128x16xf32, #tpu.memory_space<vmem>>) target(%dma_start3A_31 : memref<10112x16xf32, #tpu.memory_space<vmem_shared>>) offsets(%dma_start3A_28 : memref<128xi32, #tpu.memory_space<vmem>>) semaphore(%arg12 : memref<!tpu.dma_semaphore, #tpu.memory_space<semaphore_mem>>) {add = true}
    %scan3A = arith.constant 0 : i32
    %scan3A_32 = arith.constant 20 : i32
    %scan3A_33 = arith.addi %scan3A, %scan3A_32 : i32
    %scan3A_34 = arith.constant 1 : i32
    scf.for %scan3A_41 = %scan3A to %scan3A_33 step %scan3A_34  : i32 {
      %mul3A_42 = arith.constant 4 : i32
      %mul3A_43 = arith.muli %scan3A_41, %mul3A_42 : i32
      %add3A_44 = arith.constant 0 : i32
      %add3A_45 = arith.addi %add3A_44, %mul3A_43 : i32
      %add3A_46 = arith.constant 0 : i32
      %add3A_47 = arith.addi %add3A_45, %add3A_46 : i32
      %dma_wait3A = arith.constant 0 : i32
      %dma_wait3A_48 = tpu.memref_slice %arg6[%add3A_47, %dma_wait3A] : memref<80x128xi32, #tpu.memory_space<vmem>> -> memref<1x128xi32, #tpu.memory_space<vmem>>
      %dma_wait3A_49 = tpu.memref_squeeze %dma_wait3A_48 : memref<1x128xi32, #tpu.memory_space<vmem>> -> memref<128xi32, #tpu.memory_space<vmem>>
      %dma_wait3A_50 = arith.constant 0 : i32
      %dma_wait3A_51 = arith.constant 0 : i32
      %dma_wait3A_52 = tpu.memref_slice %arg8[%dma_wait3A_50, %dma_wait3A_51] : memref<10112x16xf32, #tpu.memory_space<vmem_shared>> -> memref<10112x16xf32, #tpu.memory_space<vmem_shared>>
      tpu.wait_indirect_dma semaphore(%arg9 : memref<!tpu.dma_semaphore, #tpu.memory_space<semaphore_mem>>) src(%arg7 : memref<128x16xf32, #tpu.memory_space<vmem>>) dst(%dma_wait3A_52 : memref<10112x16xf32, #tpu.memory_space<vmem_shared>>)
      %add3A_53 = arith.constant 0 : i32
      %add3A_54 = arith.addi %add3A_45, %add3A_53 : i32
      %add3A_55 = arith.constant 4 : i32
      %add3A_56 = arith.addi %add3A_54, %add3A_55 : i32
      %lt3A = arith.constant 80 : i32
      %lt3A_57 = arith.cmpi slt, %add3A_56, %lt3A : i32
      %convert_element_type3A = arith.extui %lt3A_57 : i1 to i32
      %cond3A = arith.constant 0 : i32
      %cond3A_58 = arith.cmpi ne, %convert_element_type3A, %cond3A : i32
      scf.if %cond3A_58 {
        %add3A_110 = arith.constant 0 : i32
        %add3A_111 = arith.addi %add3A_45, %add3A_110 : i32
        %add3A_112 = arith.constant 4 : i32
        %add3A_113 = arith.addi %add3A_111, %add3A_112 : i32
        %dma_start3A_114 = arith.constant 0 : i32
        %dma_start3A_115 = tpu.memref_slice %arg6[%add3A_113, %dma_start3A_114] : memref<80x128xi32, #tpu.memory_space<vmem>> -> memref<1x128xi32, #tpu.memory_space<vmem>>
        %dma_start3A_116 = tpu.memref_squeeze %dma_start3A_115 : memref<1x128xi32, #tpu.memory_space<vmem>> -> memref<128xi32, #tpu.memory_space<vmem>>
        %dma_start3A_117 = arith.constant 0 : i32
        %dma_start3A_118 = arith.constant 0 : i32
        %dma_start3A_119 = tpu.memref_slice %arg8[%dma_start3A_117, %dma_start3A_118] : memref<10112x16xf32, #tpu.memory_space<vmem_shared>> -> memref<10112x16xf32, #tpu.memory_space<vmem_shared>>
        tpu.enqueue_indirect_dma source(%arg7 : memref<128x16xf32, #tpu.memory_space<vmem>>) target(%dma_start3A_119 : memref<10112x16xf32, #tpu.memory_space<vmem_shared>>) offsets(%dma_start3A_116 : memref<128xi32, #tpu.memory_space<vmem>>) semaphore(%arg9 : memref<!tpu.dma_semaphore, #tpu.memory_space<semaphore_mem>>) {add = true}
      } else {
      }
      %add3A_59 = arith.constant 1 : i32
      %add3A_60 = arith.addi %add3A_45, %add3A_59 : i32
      %dma_wait3A_61 = arith.constant 0 : i32
      %dma_wait3A_62 = tpu.memref_slice %arg6[%add3A_60, %dma_wait3A_61] : memref<80x128xi32, #tpu.memory_space<vmem>> -> memref<1x128xi32, #tpu.memory_space<vmem>>
      %dma_wait3A_63 = tpu.memref_squeeze %dma_wait3A_62 : memref<1x128xi32, #tpu.memory_space<vmem>> -> memref<128xi32, #tpu.memory_space<vmem>>
      %dma_wait3A_64 = arith.constant 0 : i32
      %dma_wait3A_65 = arith.constant 0 : i32
      %dma_wait3A_66 = tpu.memref_slice %arg8[%dma_wait3A_64, %dma_wait3A_65] : memref<10112x16xf32, #tpu.memory_space<vmem_shared>> -> memref<10112x16xf32, #tpu.memory_space<vmem_shared>>
      tpu.wait_indirect_dma semaphore(%arg10 : memref<!tpu.dma_semaphore, #tpu.memory_space<semaphore_mem>>) src(%arg7 : memref<128x16xf32, #tpu.memory_space<vmem>>) dst(%dma_wait3A_66 : memref<10112x16xf32, #tpu.memory_space<vmem_shared>>)
      %add3A_67 = arith.constant 1 : i32
      %add3A_68 = arith.addi %add3A_45, %add3A_67 : i32
      %add3A_69 = arith.constant 4 : i32
      %add3A_70 = arith.addi %add3A_68, %add3A_69 : i32
      %lt3A_71 = arith.constant 80 : i32
      %lt3A_72 = arith.cmpi slt, %add3A_70, %lt3A_71 : i32
      %convert_element_type3A_73 = arith.extui %lt3A_72 : i1 to i32
      %cond3A_74 = arith.constant 0 : i32
      %cond3A_75 = arith.cmpi ne, %convert_element_type3A_73, %cond3A_74 : i32
      scf.if %cond3A_75 {
        %add3A_110 = arith.constant 1 : i32
        %add3A_111 = arith.addi %add3A_45, %add3A_110 : i32
        %add3A_112 = arith.constant 4 : i32
        %add3A_113 = arith.addi %add3A_111, %add3A_112 : i32
        %dma_start3A_114 = arith.constant 0 : i32
        %dma_start3A_115 = tpu.memref_slice %arg6[%add3A_113, %dma_start3A_114] : memref<80x128xi32, #tpu.memory_space<vmem>> -> memref<1x128xi32, #tpu.memory_space<vmem>>
        %dma_start3A_116 = tpu.memref_squeeze %dma_start3A_115 : memref<1x128xi32, #tpu.memory_space<vmem>> -> memref<128xi32, #tpu.memory_space<vmem>>
        %dma_start3A_117 = arith.constant 0 : i32
        %dma_start3A_118 = arith.constant 0 : i32
        %dma_start3A_119 = tpu.memref_slice %arg8[%dma_start3A_117, %dma_start3A_118] : memref<10112x16xf32, #tpu.memory_space<vmem_shared>> -> memref<10112x16xf32, #tpu.memory_space<vmem_shared>>
        tpu.enqueue_indirect_dma source(%arg7 : memref<128x16xf32, #tpu.memory_space<vmem>>) target(%dma_start3A_119 : memref<10112x16xf32, #tpu.memory_space<vmem_shared>>) offsets(%dma_start3A_116 : memref<128xi32, #tpu.memory_space<vmem>>) semaphore(%arg10 : memref<!tpu.dma_semaphore, #tpu.memory_space<semaphore_mem>>) {add = true}
      } else {
      }
      %add3A_76 = arith.constant 2 : i32
      %add3A_77 = arith.addi %add3A_45, %add3A_76 : i32
      %dma_wait3A_78 = arith.constant 0 : i32
      %dma_wait3A_79 = tpu.memref_slice %arg6[%add3A_77, %dma_wait3A_78] : memref<80x128xi32, #tpu.memory_space<vmem>> -> memref<1x128xi32, #tpu.memory_space<vmem>>
      %dma_wait3A_80 = tpu.memref_squeeze %dma_wait3A_79 : memref<1x128xi32, #tpu.memory_space<vmem>> -> memref<128xi32, #tpu.memory_space<vmem>>
      %dma_wait3A_81 = arith.constant 0 : i32
      %dma_wait3A_82 = arith.constant 0 : i32
      %dma_wait3A_83 = tpu.memref_slice %arg8[%dma_wait3A_81, %dma_wait3A_82] : memref<10112x16xf32, #tpu.memory_space<vmem_shared>> -> memref<10112x16xf32, #tpu.memory_space<vmem_shared>>
      tpu.wait_indirect_dma semaphore(%arg11 : memref<!tpu.dma_semaphore, #tpu.memory_space<semaphore_mem>>) src(%arg7 : memref<128x16xf32, #tpu.memory_space<vmem>>) dst(%dma_wait3A_83 : memref<10112x16xf32, #tpu.memory_space<vmem_shared>>)
      %add3A_84 = arith.constant 2 : i32
      %add3A_85 = arith.addi %add3A_45, %add3A_84 : i32
      %add3A_86 = arith.constant 4 : i32
      %add3A_87 = arith.addi %add3A_85, %add3A_86 : i32
      %lt3A_88 = arith.constant 80 : i32
      %lt3A_89 = arith.cmpi slt, %add3A_87, %lt3A_88 : i32
      %convert_element_type3A_90 = arith.extui %lt3A_89 : i1 to i32
      %cond3A_91 = arith.constant 0 : i32
      %cond3A_92 = arith.cmpi ne, %convert_element_type3A_90, %cond3A_91 : i32
      scf.if %cond3A_92 {
        %add3A_110 = arith.constant 2 : i32
        %add3A_111 = arith.addi %add3A_45, %add3A_110 : i32
        %add3A_112 = arith.constant 4 : i32
        %add3A_113 = arith.addi %add3A_111, %add3A_112 : i32
        %dma_start3A_114 = arith.constant 0 : i32
        %dma_start3A_115 = tpu.memref_slice %arg6[%add3A_113, %dma_start3A_114] : memref<80x128xi32, #tpu.memory_space<vmem>> -> memref<1x128xi32, #tpu.memory_space<vmem>>
        %dma_start3A_116 = tpu.memref_squeeze %dma_start3A_115 : memref<1x128xi32, #tpu.memory_space<vmem>> -> memref<128xi32, #tpu.memory_space<vmem>>
        %dma_start3A_117 = arith.constant 0 : i32
        %dma_start3A_118 = arith.constant 0 : i32
        %dma_start3A_119 = tpu.memref_slice %arg8[%dma_start3A_117, %dma_start3A_118] : memref<10112x16xf32, #tpu.memory_space<vmem_shared>> -> memref<10112x16xf32, #tpu.memory_space<vmem_shared>>
        tpu.enqueue_indirect_dma source(%arg7 : memref<128x16xf32, #tpu.memory_space<vmem>>) target(%dma_start3A_119 : memref<10112x16xf32, #tpu.memory_space<vmem_shared>>) offsets(%dma_start3A_116 : memref<128xi32, #tpu.memory_space<vmem>>) semaphore(%arg11 : memref<!tpu.dma_semaphore, #tpu.memory_space<semaphore_mem>>) {add = true}
      } else {
      }
      %add3A_93 = arith.constant 3 : i32
      %add3A_94 = arith.addi %add3A_45, %add3A_93 : i32
      %dma_wait3A_95 = arith.constant 0 : i32
      %dma_wait3A_96 = tpu.memref_slice %arg6[%add3A_94, %dma_wait3A_95] : memref<80x128xi32, #tpu.memory_space<vmem>> -> memref<1x128xi32, #tpu.memory_space<vmem>>
      %dma_wait3A_97 = tpu.memref_squeeze %dma_wait3A_96 : memref<1x128xi32, #tpu.memory_space<vmem>> -> memref<128xi32, #tpu.memory_space<vmem>>
      %dma_wait3A_98 = arith.constant 0 : i32
      %dma_wait3A_99 = arith.constant 0 : i32
      %dma_wait3A_100 = tpu.memref_slice %arg8[%dma_wait3A_98, %dma_wait3A_99] : memref<10112x16xf32, #tpu.memory_space<vmem_shared>> -> memref<10112x16xf32, #tpu.memory_space<vmem_shared>>
      tpu.wait_indirect_dma semaphore(%arg12 : memref<!tpu.dma_semaphore, #tpu.memory_space<semaphore_mem>>) src(%arg7 : memref<128x16xf32, #tpu.memory_space<vmem>>) dst(%dma_wait3A_100 : memref<10112x16xf32, #tpu.memory_space<vmem_shared>>)
      %add3A_101 = arith.constant 3 : i32
      %add3A_102 = arith.addi %add3A_45, %add3A_101 : i32
      %add3A_103 = arith.constant 4 : i32
      %add3A_104 = arith.addi %add3A_102, %add3A_103 : i32
      %lt3A_105 = arith.constant 80 : i32
      %lt3A_106 = arith.cmpi slt, %add3A_104, %lt3A_105 : i32
      %convert_element_type3A_107 = arith.extui %lt3A_106 : i1 to i32
      %cond3A_108 = arith.constant 0 : i32
      %cond3A_109 = arith.cmpi ne, %convert_element_type3A_107, %cond3A_108 : i32
      scf.if %cond3A_109 {
        %add3A_110 = arith.constant 3 : i32
        %add3A_111 = arith.addi %add3A_45, %add3A_110 : i32
        %add3A_112 = arith.constant 4 : i32
        %add3A_113 = arith.addi %add3A_111, %add3A_112 : i32
        %dma_start3A_114 = arith.constant 0 : i32
        %dma_start3A_115 = tpu.memref_slice %arg6[%add3A_113, %dma_start3A_114] : memref<80x128xi32, #tpu.memory_space<vmem>> -> memref<1x128xi32, #tpu.memory_space<vmem>>
        %dma_start3A_116 = tpu.memref_squeeze %dma_start3A_115 : memref<1x128xi32, #tpu.memory_space<vmem>> -> memref<128xi32, #tpu.memory_space<vmem>>
        %dma_start3A_117 = arith.constant 0 : i32
        %dma_start3A_118 = arith.constant 0 : i32
        %dma_start3A_119 = tpu.memref_slice %arg8[%dma_start3A_117, %dma_start3A_118] : memref<10112x16xf32, #tpu.memory_space<vmem_shared>> -> memref<10112x16xf32, #tpu.memory_space<vmem_shared>>
        tpu.enqueue_indirect_dma source(%arg7 : memref<128x16xf32, #tpu.memory_space<vmem>>) target(%dma_start3A_119 : memref<10112x16xf32, #tpu.memory_space<vmem_shared>>) offsets(%dma_start3A_116 : memref<128xi32, #tpu.memory_space<vmem>>) semaphore(%arg12 : memref<!tpu.dma_semaphore, #tpu.memory_space<semaphore_mem>>) {add = true}
      } else {
      }
    }
    %scan3A_35 = arith.constant 20 : i32
    %barrier3A_36 = arith.constant 0 : index
    tpu.barrier barrier_id(%barrier3A_36)
    %mul3A_37 = arith.constant 632 : i32
    %mul3A_38 = arith.muli %arg1, %mul3A_37 : i32
    %mul3A_39 = arith.constant 632 : i32
    %mul3A_40 = arith.muli %arg1, %mul3A_39 : i32
    "tpu.region"() ({
      %run_scoped3A = tpu.sem_alloc : memref<!tpu.dma_semaphore, #tpu.memory_space<semaphore_mem>>
      %dma_start3A_41 = arith.constant 0 : i32
      %dma_start3A_42 = tpu.memref_slice %arg5[%arg0, %mul3A_40, %dma_start3A_41] : memref<2x10112x16xf32, #tpu.memory_space<hbm>> -> memref<1x632x16xf32, #tpu.memory_space<hbm>>
      %dma_start3A_43 = tpu.memref_squeeze %dma_start3A_42 : memref<1x632x16xf32, #tpu.memory_space<hbm>> -> memref<632x16xf32, #tpu.memory_space<hbm>>
      %dma_start3A_44 = arith.constant 0 : i32
      %dma_start3A_45 = tpu.memref_slice %arg8[%mul3A_38, %dma_start3A_44] : memref<10112x16xf32, #tpu.memory_space<vmem_shared>> -> memref<632x16xf32, #tpu.memory_space<vmem_shared>>
      tpu.enqueue_dma source(%dma_start3A_45 : memref<632x16xf32, #tpu.memory_space<vmem_shared>>) target(%dma_start3A_43 : memref<632x16xf32, #tpu.memory_space<hbm>>) target_semaphore(%run_scoped3A : memref<!tpu.dma_semaphore, #tpu.memory_space<semaphore_mem>>)
      %dma_wait3A = arith.constant 0 : i32
      %dma_wait3A_46 = tpu.memref_slice %arg5[%arg0, %mul3A_40, %dma_wait3A] : memref<2x10112x16xf32, #tpu.memory_space<hbm>> -> memref<1x632x16xf32, #tpu.memory_space<hbm>>
      %dma_wait3A_47 = tpu.memref_squeeze %dma_wait3A_46 : memref<1x632x16xf32, #tpu.memory_space<hbm>> -> memref<632x16xf32, #tpu.memory_space<hbm>>
      %dma_wait3A_48 = arith.constant 0 : i32
      %dma_wait3A_49 = tpu.memref_slice %arg8[%mul3A_38, %dma_wait3A_48] : memref<10112x16xf32, #tpu.memory_space<vmem_shared>> -> memref<632x16xf32, #tpu.memory_space<vmem_shared>>
      tpu.wait_dma2 semaphore(%run_scoped3A : memref<!tpu.dma_semaphore, #tpu.memory_space<semaphore_mem>>) src(%dma_wait3A_49 : memref<632x16xf32, #tpu.memory_space<vmem_shared>>) dst(%dma_wait3A_47 : memref<632x16xf32, #tpu.memory_space<hbm>>)
      tpu.yield
    }) : () -> ()
    return
  }
}

module attributes {stable_mosaic.version = 14 : i64} {
  func.func @body(%arg0: memref<10000x128xf32, #tpu.memory_space<vmem>>, %arg1: memref<128x16xf32, #tpu.memory_space<vmem>>, %arg2: memref<10112x16xf32, #tpu.memory_space<vmem>>) attributes {dimension_semantics = [], scalar_prefetch = 0 : i64, scratch_operands = 0 : i64, tpu.core_type = #tpu.core_type<tc>} {
    %broadcast_in_dim3A = arith.constant 0.000000e+00 : f32
    %broadcast_in_dim3A_0 = vector.broadcast %broadcast_in_dim3A : f32 to vector<112x16xf32>
    %swap3A = arith.constant 10000 : index
    %swap3A_1 = arith.constant 0 : index
    %swap3A_2 = vector.load %arg2[%swap3A, %swap3A_1] : memref<10112x16xf32, #tpu.memory_space<vmem>>, vector<112x16xf32>
    tpu.vector_store %arg2[%swap3A, %swap3A_1], %broadcast_in_dim3A_0 {strides = array<i32>} : memref<10112x16xf32, #tpu.memory_space<vmem>>, vector<112x16xf32>,
    %get3A = arith.constant 0 : index
    %get3A_3 = arith.constant 0 : index
    %get3A_4 = vector.load %arg0[%get3A, %get3A_3] : memref<10000x128xf32, #tpu.memory_space<vmem>>, vector<10000x128xf32>
    %get3A_5 = arith.constant 0 : index
    %get3A_6 = arith.constant 0 : index
    %get3A_7 = vector.load %arg1[%get3A_5, %get3A_6] : memref<128x16xf32, #tpu.memory_space<vmem>>, vector<128x16xf32>
    %dot_general3A = arith.constant dense<0.000000e+00> : vector<10000x16xf32>
    %dot_general3A_8 = tpu.matmul %get3A_4, %get3A_7, %dot_general3A {dimension_numbers = #tpu.dot_dimension_numbers<[1], [0], [0], [1], [0, 0, 1, 1], [], []>, transpose_lhs_hint = false} : vector<10000x128xf32>, vector<128x16xf32>, vector<10000x16xf32> -> vector<10000x16xf32>
    %swap3A_9 = arith.constant 0 : index
    %swap3A_10 = arith.constant 0 : index
    %swap3A_11 = vector.load %arg2[%swap3A_9, %swap3A_10] : memref<10112x16xf32, #tpu.memory_space<vmem>>, vector<10000x16xf32>
    tpu.vector_store %arg2[%swap3A_9, %swap3A_10], %dot_general3A_8 {strides = array<i32>} : memref<10112x16xf32, #tpu.memory_space<vmem>>, vector<10000x16xf32>,
    return
  }
}

module attributes {stable_mosaic.version = 14 : i64} {
  func.func @body(%arg0: memref<2x320000xi32, #tpu.memory_space<vmem>>, %arg1: memref<327680xi32, #tpu.memory_space<vmem>>, %arg2: memref<327680xi32, #tpu.memory_space<vmem>>) attributes {dimension_semantics = [], scalar_prefetch = 0 : i64, scratch_operands = 0 : i64, tpu.core_type = #tpu.core_type<tc>} {
    %iota3A = tpu.iota {dimensions = array<i32: 1>} : vector<1x7680xi32>
    %iota3A_0 = vector.shape_cast %iota3A : vector<1x7680xi32> to vector<7680xi32>
    %rem3A = arith.constant 112 : i32
    %rem3A_1 = vector.broadcast %rem3A : i32 to vector<7680xi32>
    %rem3A_2 = arith.remsi %iota3A_0, %rem3A_1 : vector<7680xi32>
    %add3A = arith.constant 10000 : i32
    %add3A_3 = vector.broadcast %add3A : i32 to vector<7680xi32>
    %add3A_4 = arith.addi %add3A_3, %rem3A_2 : vector<7680xi32>
    %get3A = arith.constant 0 : index
    %get3A_5 = arith.constant 0 : index
    %get3A_6 = vector.load %arg0[%get3A, %get3A_5] : memref<2x320000xi32, #tpu.memory_space<vmem>>, vector<1x320000xi32>
    %get3A_7 = vector.shape_cast %get3A_6 : vector<1x320000xi32> to vector<320000xi32>
    %swap3A = arith.constant 0 : index
    %swap3A_8 = vector.load %arg1[%swap3A] : memref<327680xi32, #tpu.memory_space<vmem>>, vector<320000xi32>
    tpu.vector_store %arg1[%swap3A], %get3A_7 {strides = array<i32>} : memref<327680xi32, #tpu.memory_space<vmem>>, vector<320000xi32>,
    %swap3A_9 = arith.constant 320000 : index
    %swap3A_10 = vector.load %arg1[%swap3A_9] : memref<327680xi32, #tpu.memory_space<vmem>>, vector<7680xi32>
    tpu.vector_store %arg1[%swap3A_9], %add3A_4 {strides = array<i32>} : memref<327680xi32, #tpu.memory_space<vmem>>, vector<7680xi32>,
    %get3A_11 = arith.constant 1 : index
    %get3A_12 = arith.constant 0 : index
    %get3A_13 = vector.load %arg0[%get3A_11, %get3A_12] : memref<2x320000xi32, #tpu.memory_space<vmem>>, vector<1x320000xi32>
    %get3A_14 = vector.shape_cast %get3A_13 : vector<1x320000xi32> to vector<320000xi32>
    %swap3A_15 = arith.constant 0 : index
    %swap3A_16 = vector.load %arg2[%swap3A_15] : memref<327680xi32, #tpu.memory_space<vmem>>, vector<320000xi32>
    tpu.vector_store %arg2[%swap3A_15], %get3A_14 {strides = array<i32>} : memref<327680xi32, #tpu.memory_space<vmem>>, vector<320000xi32>,
    %swap3A_17 = arith.constant 320000 : index
    %swap3A_18 = vector.load %arg2[%swap3A_17] : memref<327680xi32, #tpu.memory_space<vmem>>, vector<7680xi32>
    tpu.vector_store %arg2[%swap3A_17], %add3A_4 {strides = array<i32>} : memref<327680xi32, #tpu.memory_space<vmem>>, vector<7680xi32>,
    return
  }
}

module attributes {stable_mosaic.version = 14 : i64} {
  func.func @body(%arg0: memref<2528x128xf32, #tpu.memory_space<vmem>>, %arg1: memref<1264x128xf32, #tpu.memory_space<vmem>>, %arg2: memref<1264x128xf32, #tpu.memory_space<vmem>>) attributes {dimension_semantics = [], scalar_prefetch = 0 : i64, scratch_operands = 0 : i64, tpu.core_type = #tpu.core_type<tc>} {
    %get3A = arith.constant 0 : index
    %get3A_0 = arith.constant 0 : index
    %get3A_1 = vector.load %arg0[%get3A, %get3A_0] : memref<2528x128xf32, #tpu.memory_space<vmem>>, vector<1264x128xf32>
    %get3A_2 = arith.constant 1264 : index
    %get3A_3 = arith.constant 0 : index
    %get3A_4 = vector.load %arg0[%get3A_2, %get3A_3] : memref<2528x128xf32, #tpu.memory_space<vmem>>, vector<1264x128xf32>
    %add3A = arith.addf %get3A_1, %get3A_4 : vector<1264x128xf32>
    %add3A_5 = arith.constant 1.000000e+00 : f32
    %add3A_6 = vector.broadcast %add3A_5 : f32 to vector<1264x128xf32>
    %add3A_7 = arith.addf %add3A, %add3A_6 : vector<1264x128xf32>
    %rsqrt3A = math.rsqrt %add3A_7 : vector<1264x128xf32>
    %get3A_8 = arith.constant 0 : index
    %get3A_9 = arith.constant 0 : index
    %get3A_10 = vector.load %arg1[%get3A_8, %get3A_9] : memref<1264x128xf32, #tpu.memory_space<vmem>>, vector<1264x128xf32>
    %mul3A = arith.mulf %rsqrt3A, %get3A_10 : vector<1264x128xf32>
    %swap3A = arith.constant 0 : index
    %swap3A_11 = arith.constant 0 : index
    %swap3A_12 = vector.load %arg2[%swap3A, %swap3A_11] : memref<1264x128xf32, #tpu.memory_space<vmem>>, vector<1264x128xf32>
    tpu.vector_store %arg2[%swap3A, %swap3A_11], %mul3A {strides = array<i32>} : memref<1264x128xf32, #tpu.memory_space<vmem>>, vector<1264x128xf32>,
    return
  }
}

module attributes {stable_mosaic.version = 14 : i64} {
  func.func @body(%arg0: memref<2528x128xf32, #tpu.memory_space<vmem>>, %arg1: memref<2528x128xf32, #tpu.memory_space<vmem>>, %arg2: memref<1264x128xf32, #tpu.memory_space<vmem>>, %arg3: memref<1x128xf32, #tpu.memory_space<vmem>>, %arg4: memref<1264x128xf32, #tpu.memory_space<vmem>>) attributes {dimension_semantics = [], scalar_prefetch = 0 : i64, scratch_operands = 0 : i64, tpu.core_type = #tpu.core_type<tc>} {
    %get3A = arith.constant 0 : index
    %get3A_0 = arith.constant 0 : index
    %get3A_1 = vector.load %arg0[%get3A, %get3A_0] : memref<2528x128xf32, #tpu.memory_space<vmem>>, vector<1264x128xf32>
    %get3A_2 = arith.constant 1264 : index
    %get3A_3 = arith.constant 0 : index
    %get3A_4 = vector.load %arg0[%get3A_2, %get3A_3] : memref<2528x128xf32, #tpu.memory_space<vmem>>, vector<1264x128xf32>
    %add3A = arith.addf %get3A_1, %get3A_4 : vector<1264x128xf32>
    %add3A_5 = arith.constant 1.000000e+00 : f32
    %add3A_6 = vector.broadcast %add3A_5 : f32 to vector<1264x128xf32>
    %add3A_7 = arith.addf %add3A, %add3A_6 : vector<1264x128xf32>
    %rsqrt3A = math.rsqrt %add3A_7 : vector<1264x128xf32>
    %get3A_8 = arith.constant 0 : index
    %get3A_9 = arith.constant 0 : index
    %get3A_10 = vector.load %arg1[%get3A_8, %get3A_9] : memref<2528x128xf32, #tpu.memory_space<vmem>>, vector<1264x128xf32>
    %get3A_11 = arith.constant 1264 : index
    %get3A_12 = arith.constant 0 : index
    %get3A_13 = vector.load %arg1[%get3A_11, %get3A_12] : memref<2528x128xf32, #tpu.memory_space<vmem>>, vector<1264x128xf32>
    %add3A_14 = arith.addf %get3A_10, %get3A_13 : vector<1264x128xf32>
    %get3A_15 = arith.constant 0 : index
    %get3A_16 = arith.constant 0 : index
    %get3A_17 = vector.load %arg2[%get3A_15, %get3A_16] : memref<1264x128xf32, #tpu.memory_space<vmem>>, vector<1264x128xf32>
    %add3A_18 = arith.addf %add3A_14, %get3A_17 : vector<1264x128xf32>
    %mul3A = arith.mulf %rsqrt3A, %add3A_18 : vector<1264x128xf32>
    %get3A_19 = arith.constant 0 : index
    %get3A_20 = arith.constant 0 : index
    %get3A_21 = vector.load %arg3[%get3A_19, %get3A_20] : memref<1x128xf32, #tpu.memory_space<vmem>>, vector<1x128xf32>
    %add3A_22 = vector.broadcast %get3A_21 : vector<1x128xf32> to vector<1264x128xf32>
    %add3A_23 = arith.addf %mul3A, %add3A_22 : vector<1264x128xf32>
    %max3A = arith.constant 0.000000e+00 : f32
    %max3A_24 = vector.broadcast %max3A : f32 to vector<1264x128xf32>
    %max3A_25 = arith.maximumf %add3A_23, %max3A_24 : vector<1264x128xf32>
    %mul3A_26 = arith.mulf %rsqrt3A, %max3A_25 : vector<1264x128xf32>
    %swap3A = arith.constant 0 : index
    %swap3A_27 = arith.constant 0 : index
    %swap3A_28 = vector.load %arg4[%swap3A, %swap3A_27] : memref<1264x128xf32, #tpu.memory_space<vmem>>, vector<1264x128xf32>
    tpu.vector_store %arg4[%swap3A, %swap3A_27], %mul3A_26 {strides = array<i32>} : memref<1264x128xf32, #tpu.memory_space<vmem>>, vector<1264x128xf32>,
    return
  }
}

module attributes {stable_mosaic.version = 14 : i64} {
  func.func @body(%arg0: memref<2528x128xf32, #tpu.memory_space<vmem>>, %arg1: memref<2528x128xf32, #tpu.memory_space<vmem>>, %arg2: memref<1264x128xf32, #tpu.memory_space<vmem>>, %arg3: memref<128x24xf32, #tpu.memory_space<vmem>>, %arg4: memref<1x24xf32, #tpu.memory_space<vmem>>, %arg5: memref<1264x24xf32, #tpu.memory_space<vmem>>) attributes {dimension_semantics = [], scalar_prefetch = 0 : i64, scratch_operands = 0 : i64, tpu.core_type = #tpu.core_type<tc>} {
    %get3A = arith.constant 0 : index
    %get3A_0 = arith.constant 0 : index
    %get3A_1 = vector.load %arg0[%get3A, %get3A_0] : memref<2528x128xf32, #tpu.memory_space<vmem>>, vector<1264x128xf32>
    %get3A_2 = arith.constant 1264 : index
    %get3A_3 = arith.constant 0 : index
    %get3A_4 = vector.load %arg0[%get3A_2, %get3A_3] : memref<2528x128xf32, #tpu.memory_space<vmem>>, vector<1264x128xf32>
    %add3A = arith.addf %get3A_1, %get3A_4 : vector<1264x128xf32>
    %add3A_5 = arith.constant 1.000000e+00 : f32
    %add3A_6 = vector.broadcast %add3A_5 : f32 to vector<1264x128xf32>
    %add3A_7 = arith.addf %add3A, %add3A_6 : vector<1264x128xf32>
    %rsqrt3A = math.rsqrt %add3A_7 : vector<1264x128xf32>
    %get3A_8 = arith.constant 0 : index
    %get3A_9 = arith.constant 0 : index
    %get3A_10 = vector.load %arg1[%get3A_8, %get3A_9] : memref<2528x128xf32, #tpu.memory_space<vmem>>, vector<1264x128xf32>
    %get3A_11 = arith.constant 1264 : index
    %get3A_12 = arith.constant 0 : index
    %get3A_13 = vector.load %arg1[%get3A_11, %get3A_12] : memref<2528x128xf32, #tpu.memory_space<vmem>>, vector<1264x128xf32>
    %add3A_14 = arith.addf %get3A_10, %get3A_13 : vector<1264x128xf32>
    %get3A_15 = arith.constant 0 : index
    %get3A_16 = arith.constant 0 : index
    %get3A_17 = vector.load %arg2[%get3A_15, %get3A_16] : memref<1264x128xf32, #tpu.memory_space<vmem>>, vector<1264x128xf32>
    %add3A_18 = arith.addf %add3A_14, %get3A_17 : vector<1264x128xf32>
    %mul3A = arith.mulf %rsqrt3A, %add3A_18 : vector<1264x128xf32>
    %get3A_19 = arith.constant 0 : index
    %get3A_20 = arith.constant 0 : index
    %get3A_21 = vector.load %arg3[%get3A_19, %get3A_20] : memref<128x24xf32, #tpu.memory_space<vmem>>, vector<128x24xf32>
    %dot_general3A = arith.constant dense<0.000000e+00> : vector<1264x24xf32>
    %dot_general3A_22 = tpu.matmul %mul3A, %get3A_21, %dot_general3A {dimension_numbers = #tpu.dot_dimension_numbers<[1], [0], [0], [1], [0, 0, 1, 1], [], []>, transpose_lhs_hint = false} : vector<1264x128xf32>, vector<128x24xf32>, vector<1264x24xf32> -> vector<1264x24xf32>
    %get3A_23 = arith.constant 0 : index
    %get3A_24 = arith.constant 0 : index
    %get3A_25 = vector.load %arg4[%get3A_23, %get3A_24] : memref<1x24xf32, #tpu.memory_space<vmem>>, vector<1x24xf32>
    %add3A_26 = vector.broadcast %get3A_25 : vector<1x24xf32> to vector<1264x24xf32>
    %add3A_27 = arith.addf %dot_general3A_22, %add3A_26 : vector<1264x24xf32>
    %swap3A = arith.constant 0 : index
    %swap3A_28 = arith.constant 0 : index
    %swap3A_29 = vector.load %arg5[%swap3A, %swap3A_28] : memref<1264x24xf32, #tpu.memory_space<vmem>>, vector<1264x24xf32>
    tpu.vector_store %arg5[%swap3A, %swap3A_28], %add3A_27 {strides = array<i32>} : memref<1264x24xf32, #tpu.memory_space<vmem>>, vector<1264x24xf32>,
    return
  }
}

</mosaic_0001>

<sc_bundles>
// kernel: kernel.10.cloned.1.call-start
scs
__scs_entry_jumppad:
0x0: {  	(pc) =	sbr.rel $0x88, $3  }
0x1: {  	(tag) =	ssettag $0x0;
	lr =	simm.s32 $0x1  }
0x2: {  	[smem:$0x3F9B] =	sst lr;
	_ =	strace $0xD0000000  }
0x3: {  	_ = 	snop  }
0x4: {  	_ = 	snop  }
0x5: {  	_ = 	snop  }
0x6: {  	_ = 	snop  }
0x7: {  	_ = 	snop  }
__scs_overlays_trampoline_lowered:
0x8: {  	[smem:$0x3FAA] =	sst s0  }
0x9: {  	[smem:$0x3FAB] =	sst s1  }
0xa: {  	[smem:$0x3FAC] =	sst s2  }
0xb: {  	[smem:$0x3FAD] =	sst s3  }
0xc: {  	[smem:$0x3FAE] =	sst s4  }
0xd: {  	[smem:$0x3FAF] =	sst s5  }
0xe: {  	[smem:$0x3FB0] =	sst s6  }
0xf: {  	[smem:$0x3FB1] =	sst s7  }
0x10: {  	[smem:$0x3FB2] =	sst s8  }
0x11: {  	[smem:$0x3FB3] =	sst s9;
	s0 =	simm.s32 @!p0 $0x0  }
0x12: {  	s1 =	sld [smem:$0x3F99];
	s0 =	simm.s32 @p0 $0x1  }
0x13: {  	[smem:$0x3FB4] =	sst s0;
	s0 =	simm.s32 @!p1 $0x0  }
0x14: {  	s2 =	sld [smem:$0x3F98];
	s0 =	simm.s32 @p1 $0x1  }
0x15: {  	[smem:$0x3FB5] =	sst s0;
	s0 =	simm.s32 @!p2 $0x0  }
0x16: {  	s3 =	sld [smem:$0x3FDB];
	s0 =	simm.s32 @p2 $0x1  }
0x17: {  	s4 =	simm.s32 $0x1BF5;
	[smem:$0x3FB7] =	sst s0  }
0x18: {  	s0 =	sld [smem:$0x3F9A];
	_ =	swait.ge [sflag:s4], $0x0  }
0x19: {  	s7 =	sld [smem:$0x3F9B]  }
0x1a: {  	s8 =	sadd.s32 $0xFFFFE003, lr  }
0x1b: {  	s9 =	sadd.s32 $0xFFFFFEF7, lr;
	s5 =	simm.s32 $0xFFFFFFFF;
	p2 =	slt.u32 s8, $0xFFFFF086  }
0x1c: {  	p1 =	slt.u32 s9, $0xF7A;
	s5 =	simm.s32 @!p2 $0x0  }
0x1d: {  	s5 =	simm.s32 @p1 $0x1;
	p0 =	seq.s32 s7, s2  }
0x1e: {  	s7 =	smul.u32 @!p0 $0xF7A, s2;
	p2 =	seq.s32 @!p0 s5, $0x0  }
0x1f: {  	s9 =	smul.u32 $0xF7A, s1;
	s8 =	simm.s32 @!p0 $0x1BF5;
	p2 =	por !p2, p0  }
0x20: {  	[sflag:s8] =	ssyncset.s32 @!p0 $0xFFFFF086;
	s6 =	sadd.s32 @!p0 s3, s7;
	s7 =	simm.s32 @!p0 $0x108  }
0x21: {  	s3 =	sadd.s32 s3, s9;
	s6 =	sadd.s32 @!p0 $0x88, s6;
	s7 =	simm.s32 @p2 $0x1082  }
0x22: {  	[simem:s7], [sflag:s8] =	dma.local @!p0 [hbm:s6], $0xF7A  }
0x23: {  	s9 =	sor.u32 $0xD0000000, s2;
	s6 =	simm.s32 $0x108;
	_ =	swait.ge @!p0 [sflag:s8], $0x0  }
0x24: {  	s3 =	sadd.s32 $0x88, s3;
	s6 =	simm.s32 @!p1 $0x1082;
	[sflag:s4] =	ssyncset.s32 $0xFFFFF086  }
0x25: {  	[simem:s6], [sflag:s4] =	dma.local [hbm:s3], $0xF7A  }
0x26: {  	[smem:$0x3F9B] =	sst s1;
	(tag) =	ssettag s2;
	_ =	strace s9  }
0x27: {  	s1 =	sld [smem:$0x3FAB]  }
0x28: {  	s2 =	sld [smem:$0x3FAC]  }
0x29: {  	s4 =	sld [smem:$0x3FAE]  }
0x2a: {  	p0 =	seq.s32 s5, $0x0;
	s5 =	sld [smem:$0x3FAF]  }
0x2b: {  	s6 =	sld [smem:$0x3FB0]  }
0x2c: {  	s7 =	sld [smem:$0x3FB1]  }
0x2d: {  	s3 =	simm.s32 $0x108;
	s8 =	sld [smem:$0x3FB2]  }
0x2e: {  	s3 =	simm.s32 @!p0 $0x1082;
	s9 =	sld [smem:$0x3FB3]  }
0x2f: {  	lr =	sadd.s32 s0, s3;
	s0 =	sld [smem:$0x3FAA]  }
0x30: {  	s3 =	sld [smem:$0x3FAD]  }
0x31: {  	[smem:$0x3FB6] =	sst s10  }
0x32: {  	s10 =	sld [smem:$0x3FB4];
	_ =	sdelay $0x3  }
0x33: {  	p0 =	seq.s32 s10, $0x1;
	s10 =	sld [smem:$0x3FB6];
	_ =	sdelay $0x3  }
0x34: {  	[smem:$0x3FB6] =	sst s10  }
0x35: {  	s10 =	sld [smem:$0x3FB5];
	_ =	sdelay $0x3  }
0x36: {  	p1 =	seq.s32 s10, $0x1;
	s10 =	sld [smem:$0x3FB6];
	_ =	sdelay $0x3  }
0x37: {  	[smem:$0x3FB6] =	sst s10  }
0x38: {  	s10 =	sld [smem:$0x3FB7]  }
0x39: {  	_ = 	snop;
	(pc) =	sbr.ind lr, $3  }
0x3a: {  	_ = 	snop  }
0x3b: {  	_ = 	snop  }
0x3c: {  	p2 =	seq.s32 s10, $0x1;
	s10 =	sld [smem:$0x3FB6]  }
0x3d: {  	_ =	shalt  }
0x3e: {  	_ =	shalt  }
0x3f: {  	_ =	shalt  }
0x40: {  	_ =	shalt  }
0x41: {  	_ =	shalt  }
0x42: {  	_ =	shalt  }
0x43: {  	_ =	shalt  }
0x44: {  	_ =	shalt  }
0x45: {  	_ =	shalt  }
0x46: {  	_ =	shalt  }
0x47: {  	_ =	shalt  }
0x48: {  	_ =	shalt  }
0x49: {  	_ =	shalt  }
0x4a: {  	_ =	shalt  }
0x4b: {  	_ =	shalt  }
0x4c: {  	_ =	shalt  }
0x4d: {  	_ =	shalt  }
0x4e: {  	_ =	shalt  }
0x4f: {  	_ =	shalt  }
0x50: {  	_ =	shalt  }
0x51: {  	_ =	shalt  }
0x52: {  	_ =	shalt  }
0x53: {  	_ =	shalt  }
0x54: {  	_ =	shalt  }
0x55: {  	_ =	shalt  }
0x56: {  	_ =	shalt  }
0x57: {  	_ =	shalt  }
0x58: {  	_ =	shalt  }
0x59: {  	_ =	shalt  }
0x5a: {  	_ =	shalt  }
0x5b: {  	_ =	shalt  }
0x5c: {  	_ =	shalt  }
0x5d: {  	_ =	shalt  }
0x5e: {  	_ =	shalt  }
0x5f: {  	_ =	shalt  }
0x60: {  	_ =	shalt  }
0x61: {  	_ =	shalt  }
0x62: {  	_ =	shalt  }
0x63: {  	_ =	shalt  }
0x64: {  	_ =	shalt  }
0x65: {  	_ =	shalt  }
0x66: {  	_ =	shalt  }
0x67: {  	_ =	shalt  }
0x68: {  	_ =	shalt  }
0x69: {  	_ =	shalt  }
0x6a: {  	_ =	shalt  }
0x6b: {  	_ =	shalt  }
0x6c: {  	_ =	shalt  }
0x6d: {  	_ =	shalt  }
0x6e: {  	_ =	shalt  }
0x6f: {  	_ =	shalt  }
0x70: {  	_ =	shalt  }
0x71: {  	_ =	shalt  }
0x72: {  	_ =	shalt  }
0x73: {  	_ =	shalt  }
0x74: {  	_ =	shalt  }
0x75: {  	_ =	shalt  }
0x76: {  	_ =	shalt  }
0x77: {  	_ =	shalt  }
0x78: {  	_ =	shalt  }
0x79: {  	_ =	shalt  }
0x7a: {  	_ =	shalt  }
0x7b: {  	_ =	shalt  }
0x7c: {  	_ =	shalt  }
0x7d: {  	_ =	shalt  }
0x7e: {  	_ =	shalt  }
0x7f: {  	_ =	shalt  }
0x80: {  	_ =	shalt  }
0x81: {  	_ =	shalt  }
0x82: {  	_ =	shalt  }
0x83: {  	_ =	shalt  }
0x84: {  	_ =	shalt  }
0x85: {  	_ =	shalt  }
0x86: {  	_ =	shalt  }
0x87: {  	_ =	shalt  }
.Lfunc_end0:
.L_simem_size_0:
called_computation_lowered:
.L_overlay_start_0:
0x88: {  	s2 =	sld [smem:$0x3FD9]  }
0x89: {  	s3 =	sld [smem:$0x3FFE];
	_ =	sdelay $0x1  }
0x8a: {  	s1 =	srdreg.scid  }
0x8b: {  	s0 =	sand.u32 $0x1, s1  }
0x8c: {  	s17 =	sshll.u32 s0, $0xA;
	s2 =	sadd.s32 s3, s2  }
0x8d: {  	s2 =	sadd.s32 s2, s17  }
0x8e: {  	[smem:$0x3FC2] =	sst s2  }
0x8f: {  	_ = 	snop  }
0x90: {  	s2 =	sld [smem:$0x3FD0];
	(tm) =	ssettm $0x1  }
0x91: {  	s18 =	sld [smem:$0x3FFB];
	_ =	sdelay $0x3  }
0x92: {  	_ =	strace s18  }
0x93: {  	s3 =	sld [smem:$0x3FFC];
	_ =	sdelay $0x3  }
0x94: {  	_ =	strace s3  }
0x95: {  	s3 =	sld [smem:$0x3FFD];
	_ =	sdelay $0x3  }
0x96: {  	_ =	strace s3  }
0x97: {  	_ =	strace $0x8FFFFFFF  }
0x98: {  	s19 =	sld [smem:$0x3FDB];
	_ =	sdelay $0x1  }
0x99: {  	s4 =	simm.s32 $_scs_section_size  }
0x9a: {  	s5 =	simm.s32 $_size__tile_overlayer_lowered;
	s6 =	simm.s32 $_tile_overlayer_lowered  }
0x9b: {  	s22 =	simm.s32 $0x1BFF;
	s21 =	sshll.u32 s6, $0x1;
	s3 =	sadd.s32 s4, s19  }
0x9c: {  	s7 =	simm.s32 $0x0;
	s20 =	sshll.u32 s5, $0x1;
	s5 =	sadd.s32 s21, s3  }
0x9d: {  	[timem:s7], [sflag:s22] =	dma.local [hbm:s5], s20  }
0x9e: {  	_ =	swait.ge [sflag:s22], s20  }
0x9f: {  	s4 =	ssub.s32 $0x0, s20;
	[sflag:s22] =	ssyncset.done $0x0  }
0xa0: {  	[sflag:s22] =	ssyncadd.s32 s4;
	_ =	sdelay $0x1  }
0xa1: {  	s23 =	simm.s32 $0x1B8B  }
0xa2: {  	_ =	swait.ge [sflag:s23], $0x1  }
0xa3: {  	[sflag:s23] =	ssyncset.done $0x0  }
0xa4: {  	s25 =	simm.s32 $0x1B8E;
	s24 =	sld [smem:$0x3FFE];
	[sflag:s23] =	ssyncadd.s32 $0xFFFFFFFF  }
0xa5: {  	s26 =	simm.s32 $execute0_lowered;
	[smem:$0x3FD2] =	sst s25  }
0xa6: {  	s5 =	sshll.u32 s26, $0x1;
	_ =	strace $0x80000046;
	[dreg:$0x1] =	wrdreg $0xFFFFFFFF  }
0xa7: {  	s28 =	simm.s32 $_size_execute0_lowered;
	s3 =	sadd.s32 s3, s5;
	[dreg:$0x0] =	wrdreg $0x0  }
0xa8: {  	s5 =	sshll.u32 s28, $0x1;
	[dreg:$0x2] =	wrdreg s3  }
0xa9: {  	[dreg:$0x3] =	wrdreg s5  }
0xaa: {  	[dreg:$0x4] =	wrdreg $0xC0  }
0xab: {  	_ =	task [dreg:s7], $0x5FFFF  }
0xac: {  	[dreg:$0x1] =	wrdreg $0xFFFFFFFF  }
0xad: {  	[dreg:$0x0] =	wrdreg $0x60  }
0xae: {  	[dreg:$0x2] =	wrdreg s24  }
0xaf: {  	[dreg:$0x3] =	wrdreg s2  }
0xb0: {  	[dreg:$0x4] =	wrdreg $0x30000  }
0xb1: {  	[dreg:$0x5] =	wrdreg $0x9  }
0xb2: {  	_ =	task.clear_ibuf [dreg:s7], $0x6FFFF;
	_ =	strace $0x90000046  }
0xb3: {  	s29 =	simm.s32 $0x9;
	_ =	strace $0x80000048  }
0xb4: {  	_ =	swait.ge [sflag:s29], $0x1  }
0xb5: {  	[sflag:s29] =	ssyncadd.s32 $0xFFFFFFFF  }
0xb6: {  	_ =	strace $0x90000048  }
0xb7: {  	_ =	sfence  }
0xb8: {  	s30 =	sld [smem:$0x0];
	_ =	sdelay $0x2  }
0xb9: {  	s31 =	sshll.u32 s1, $0xD;
	s1 =	sshrl.u32 s1, $0x2  }
0xba: {  	s3 =	sand.u32 $0x4000, s31;
	s1 =	sadd.s32 s1, s30  }
0xbb: {  	s0 =	sor.u32 s3, s0;
	s1 =	sshll.u32 s1, $0x11  }
0xbc: {  	s0 =	sor.u32 s1, s0  }
0xbd: {  	s0 =	sadd.s32 $0x8F2B, s0  }
0xbe: {  	[sflag:s0] =	ssyncadd.remote.s32 $0x1  }
0xbf: {  	_ =	sfence.sel $0xFFFF  }
0xc0: {  	[dreg:$0x0] =	wrdreg $0xFFFFFFFF;
	(pc) =	sbr.abs _section_cstart, $3  }
0xc1: {  	[dreg:$0x1] =	wrdreg $0xFFFFFFFF  }
0xc2: {  	_ =	task.clear_ibuf [dreg:s7], $0x2FFFF;
	_ =	strace $0x9FFFFFFF  }
0xc3: {  	(tm) =	ssettm $0x7FFFFFFF  }
tec
execute0_lowered:
.L_overlay_start_1:
0x0: {  	(tag) =	ssettag $0x1  }
0x1: {  	s6 =	rddreg [dreg:$0x0]  }
0x2: {  	s0 =	srdreg.scid;
	s2 =	rddreg [dreg:$0x1]  }
0x3: {  	s3 =	rddreg [dreg:$0x2];
	s4 =	simm.s32 $0x0;
	s13 =	simm.s32 $0x80  }
0x4: {  	s14 =	simm.s32 $0x100;
	s15 =	simm.s32 $0x180;
	s16 =	simm.s32 $0x1  }
0x5: {  	s17 =	simm.s32 $0x2;
	s18 =	simm.s32 $0x3;
	s19 =	simm.s32 $0x4  }
0x6: {  	s20 =	simm.s32 $0x0;
	s5 =	sand.u32 $0x1, s0;
	s0 =	stileid.u32  }
0x7: {  	[smem:$0x7FF] =	sst s4;
	s1 =	sshll.u32 s5, $0x4;
	s8 =	smul.u32 $0x2780, s0  }
0x8: {  	s9 =	smul.u32 $0x27800, s5;
	s5 =	ssub.s32 $0x2, s5;
	s1 =	sor.u32 s0, s1  }
0x9: {  	s31 =	sshll.u32 s0, $0x6;
	s11 =	sshrl.u32 s5, $0x1;
	s7 =	smul.u32 $0x500, s1  }
0xa: {  	s1 =	rddreg [dreg:$0x3];
	_ =	strace $0x80000047;
	s9 =	sadd.s32 s8, s9  }
0xb: {  	s10 =	sshrl.u32 s8, $0x3;
	s11 =	ssub.s32 s5, s11;
	s12 =	sadd.s32 s8, s3  }
0xc: {  	s9 =	sshrl.u32 s9, $0x3;
	s10 =	sadd.s32 s10, s6;
	s8 =	smax.u32 s11, $0x1  }
0xd: {  	s11 =	sor.u32 $0x1C05, s31;
	s12 =	sshrl.u32 s12, $0x3;
	s7 =	sadd.s32 s7, s6  }
0xe: {  	s9 =	sadd.s32 s9, s6;
	s6 =	sadd.s32 $0x17200, s10;
	s10 =	simm.s32 $0x2800  }
0xf: {  	s5 =	sadd.s32 $0x3200, s7;
	s7 =	sadd.s32 $0x1C200, s9;
	s9 =	simm.s32 $0x5  }
.LBB2_1:
0x10: {  	[tilespmem:s4], [sflag:$0x5] =	stream.linear.gather [hbm4b:s5+s4], $0x2800, $0x38;
	[tilespmem:$0x5780] =	vst v63  }
0x11: {  	_ =	swait.ge [sflag:s9], $0x2800  }
0x12: {  	[sflag:s9] =	ssyncset.done $0x0  }
0x13: {  	[sflag:s9] =	ssyncadd.s32 $0xFFFFD800  }
0x14: {  	[tilespmem:s10], [sflag:$0x5] =	stream.linear.gather [hbm4b:s2+s4], $0x800, $0x38;
	[tilespmem:$0x5780] =	vst v63  }
0x15: {  	_ =	swait.ge [sflag:s9], $0x800  }
0x16: {  	[sflag:s9] =	ssyncset.done $0x0  }
0x17: {  	[sflag:s9] =	ssyncadd.s32 $0xFFFFF800  }
0x18: {  	[spmem:s12], [sflag:s11] =	dma.local [hbm:s6], $0x4F0  }
0x19: {  	_ =	swait.ge [sflag:s9], $0x4F0  }
0x1a: {  	[sflag:s9] =	ssyncset.done $0x0  }
0x1b: {  	[sflag:s9] =	ssyncadd.s32 $0xFFFFFB10  }
0x1c: {  	[bflag:$0x0] =	sbarrier.arrive $0xFFFF  }
0x1d: {  	[spmem:s3] =	stream.indirect.scatter.add.f32 [tilespmem:s10], [sflag:$0x1], $0x10, s4, s13, $0xb8;
	[tilespmem:$0x5780] =	vst v63  }
0x1e: {  	_ = 	snop  }
0x1f: {  	[spmem:s3] =	stream.indirect.scatter.add.f32 [tilespmem:s10], [sflag:$0x2], $0x10, s13, s13, $0xb8;
	[tilespmem:$0x5780] =	vst v63  }
0x20: {  	_ = 	snop  }
0x21: {  	[spmem:s3] =	stream.indirect.scatter.add.f32 [tilespmem:s10], [sflag:$0x3], $0x10, s14, s13, $0xb8;
	[tilespmem:$0x5780] =	vst v63  }
0x22: {  	_ = 	snop  }
0x23: {  	[spmem:s3] =	stream.indirect.scatter.add.f32 [tilespmem:s10], [sflag:$0x4], $0x10, s15, s13, $0xb8;
	[tilespmem:$0x5780] =	vst v63  }
0x24: {  	_ =	swait.ge [sflag:s16], $0x800  }
0x25: {  	[sflag:s16] =	ssyncset.done $0x0  }
0x26: {  	s21 =	simm.s32 $0x200;
	[sflag:s16] =	ssyncadd.s32 $0xFFFFF800  }
0x27: {  	[spmem:s3] =	stream.indirect.scatter.add.f32 [tilespmem:s10], [sflag:$0x1], $0x10, s21, s13, $0xb8;
	[tilespmem:$0x5780] =	vst v63  }
0x28: {  	_ =	swait.ge [sflag:s17], $0x800  }
0x29: {  	[sflag:s17] =	ssyncset.done $0x0  }
0x2a: {  	s30 =	simm.s32 $0x280;
	[sflag:s17] =	ssyncadd.s32 $0xFFFFF800  }
0x2b: {  	[spmem:s3] =	stream.indirect.scatter.add.f32 [tilespmem:s10], [sflag:$0x2], $0x10, s30, s13, $0xb8;
	[tilespmem:$0x5780] =	vst v63  }
0x2c: {  	_ =	swait.ge [sflag:s18], $0x800  }
0x2d: {  	[sflag:s18] =	ssyncset.done $0x0  }
0x2e: {  	s31 =	simm.s32 $0x300;
	[sflag:s18] =	ssyncadd.s32 $0xFFFFF800  }
0x2f: {  	[spmem:s3] =	stream.indirect.scatter.add.f32 [tilespmem:s10], [sflag:$0x3], $0x10, s31, s13, $0xb8;
	[tilespmem:$0x5780] =	vst v63  }
0x30: {  	_ =	swait.ge [sflag:s19], $0x800  }
0x31: {  	[sflag:s19] =	ssyncset.done $0x0  }
0x32: {  	s22 =	simm.s32 $0x380;
	s21 =	simm.s32 $0xFFFF7000;
	[sflag:s19] =	ssyncadd.s32 $0xFFFFF800  }
.LBB2_2:
0x33: {  	[spmem:s3] =	stream.indirect.scatter.add.f32 [tilespmem:s10], [sflag:$0x4], $0x10, s22, s13, $0xb8;
	[tilespmem:$0x5780] =	vst v63  }
0x34: {  	s22 =	smov.u32 s21  }
0x35: {  	p0 =	sne.s32 s21, $0xFFFFF800;
	s21 =	sadd.s32 $0x800, s21;
	_ =	swait.ge [sflag:s16], $0x800  }
0x36: {  	s22 =	sshra.s32 s22, $0x2;
	[sflag:s16] =	ssyncset.done $0x0  }
0x37: {  	s23 =	sadd.s32 $0x2800, s22;
	[sflag:s16] =	ssyncadd.s32 $0xFFFFF800  }
0x38: {  	[spmem:s3] =	stream.indirect.scatter.add.f32 [tilespmem:s10], [sflag:$0x1], $0x10, s23, s13, $0xb8;
	[tilespmem:$0x5780] =	vst v63  }
0x39: {  	_ =	swait.ge [sflag:s17], $0x800  }
0x3a: {  	[sflag:s17] =	ssyncset.done $0x0  }
0x3b: {  	s23 =	sadd.s32 $0x2880, s22;
	[sflag:s17] =	ssyncadd.s32 $0xFFFFF800  }
0x3c: {  	[spmem:s3] =	stream.indirect.scatter.add.f32 [tilespmem:s10], [sflag:$0x2], $0x10, s23, s13, $0xb8;
	[tilespmem:$0x5780] =	vst v63  }
0x3d: {  	_ =	swait.ge [sflag:s18], $0x800  }
0x3e: {  	[sflag:s18] =	ssyncset.done $0x0  }
.Ltmp0:
0x3f: {  	s23 =	sadd.s32 $0x2900, s22;
	[sflag:s18] =	ssyncadd.s32 $0xFFFFF800;
	(pc) =	sbr.rel @p0 .LBB2_2-.Ltmp0, $4  }
0x40: {  	[spmem:s3] =	stream.indirect.scatter.add.f32 [tilespmem:s10], [sflag:$0x3], $0x10, s23, s13, $0xb8;
	[tilespmem:$0x5780] =	vst v63  }
0x41: {  	_ =	swait.ge [sflag:s19], $0x800  }
0x42: {  	[sflag:s19] =	ssyncset.done $0x0  }
0x43: {  	s22 =	sadd.s32 $0x2980, s22;
	[sflag:s19] =	ssyncadd.s32 $0xFFFFF800  }
0x44: {  	[spmem:s3] =	stream.indirect.scatter.add.f32 [tilespmem:s10], [sflag:$0x4], $0x10, s22, s13, $0xb8;
	[tilespmem:$0x5780] =	vst v63  }
0x45: {  	_ =	swait.ge [sflag:s16], $0x800  }
0x46: {  	[sflag:s16] =	ssyncset.done $0x0  }
0x47: {  	[sflag:s16] =	ssyncadd.s32 $0xFFFFF800  }
0x48: {  	_ =	swait.ge [sflag:s17], $0x800  }
0x49: {  	[sflag:s17] =	ssyncset.done $0x0  }
0x4a: {  	[sflag:s17] =	ssyncadd.s32 $0xFFFFF800  }
0x4b: {  	_ =	swait.ge [sflag:s18], $0x800  }
0x4c: {  	[sflag:s18] =	ssyncset.done $0x0  }
0x4d: {  	[sflag:s18] =	ssyncadd.s32 $0xFFFFF800  }
0x4e: {  	_ =	swait.ge [sflag:s19], $0x800  }
0x4f: {  	s20 =	sadd.s32 $0x1, s20;
	[sflag:s19] =	ssyncset.done $0x0  }
0x50: {  	p0 =	sne.s32 s20, s8;
	[sflag:s19] =	ssyncadd.s32 $0xFFFFF800  }
.Ltmp1:
0x51: {  	[bflag:$0x0] =	sbarrier.arrive $0xFFFF;
	(pc) =	sbr.rel @p0 .LBB2_1-.Ltmp1, $4  }
0x52: {  	[hbm:s7], [sflag:s11] =	dma.local [spmem:s12], $0x4F0  }
0x53: {  	_ =	swait.ge [sflag:s9], $0x4F0  }
0x54: {  	[sflag:s9] =	ssyncset.done $0x0  }
0x55: {  	[sflag:s9] =	ssyncadd.s32 $0xFFFFFB10  }
0x56: {  	_ =	sfence.sel $0x180000  }
0x57: {  	[bflag:$0x0] =	sbarrier.arrive $0xFFFF  }
0x58: {  	p0 =	sne.s32 s0, $0x0;
	_ =	strace $0x90000047  }
0x59: {  	s0 =	sadd.s32 @!p0 $0x100000, s1;
	[bflag:$0x2] =	sbarrier.arrive $0xFFFF  }
0x5a: {  	[sflag:s0] =	ssyncadd.tile.s32 @!p0 $0x1;
	_ =	shalt  }
.Lfunc_end2:
_tile_overlayer_lowered:
.L_overlay_start_2:
0x5b: {  	(tag) =	ssettag $0x2  }
0x5c: {  	s0 =	rddreg [dreg:$0x0];
	s2 =	stileid.u32  }
0x5d: {  	s1 =	rddreg [dreg:$0x1];
	p0 =	sne.s32 s2, $0x0  }
0x5e: {  	s3 =	rddreg [dreg:$0x2];
	[bflag:$0x3] =	sbarrier.arrive $0xFFFF;
	s2 =	simm.s32 @!p0 $0x1C05  }
0x5f: {  	[timem:s3], [sflag:s2] =	dma.local @!p0 [hbm:s0], s1  }
0x60: {  	s0 =	simm.s32 @!p0 $0x5  }
0x61: {  	_ =	swait.ge @!p0 [sflag:s0], s1  }
0x62: {  	s1 =	ssub.s32 @!p0 $0x0, s1;
	[sflag:s0] =	ssyncset.done @!p0 $0x0  }
0x63: {  	[sflag:s0] =	ssyncadd.s32 @!p0 s1  }
0x64: {  	[bflag:$0x3] =	sbarrier.arrive $0xFFFF  }
0x65: {  	_ =	shalt  }

// kernel: kernel.13.cloned.1.call-start
scs
__scs_entry_jumppad:
0x0: {  	(pc) =	sbr.rel $0x88, $3  }
0x1: {  	(tag) =	ssettag $0x0;
	lr =	simm.s32 $0x1  }
0x2: {  	[smem:$0x3F9B] =	sst lr;
	_ =	strace $0xD0000000  }
0x3: {  	_ = 	snop  }
0x4: {  	_ = 	snop  }
0x5: {  	_ = 	snop  }
0x6: {  	_ = 	snop  }
0x7: {  	_ = 	snop  }
__scs_overlays_trampoline_lowered:
0x8: {  	[smem:$0x3FAA] =	sst s0  }
0x9: {  	[smem:$0x3FAB] =	sst s1  }
0xa: {  	[smem:$0x3FAC] =	sst s2  }
0xb: {  	[smem:$0x3FAD] =	sst s3  }
0xc: {  	[smem:$0x3FAE] =	sst s4  }
0xd: {  	[smem:$0x3FAF] =	sst s5  }
0xe: {  	[smem:$0x3FB0] =	sst s6  }
0xf: {  	[smem:$0x3FB1] =	sst s7  }
0x10: {  	[smem:$0x3FB2] =	sst s8  }
0x11: {  	[smem:$0x3FB3] =	sst s9;
	s0 =	simm.s32 @!p0 $0x0  }
0x12: {  	s1 =	sld [smem:$0x3F99];
	s0 =	simm.s32 @p0 $0x1  }
0x13: {  	[smem:$0x3FB4] =	sst s0;
	s0 =	simm.s32 @!p1 $0x0  }
0x14: {  	s2 =	sld [smem:$0x3F98];
	s0 =	simm.s32 @p1 $0x1  }
0x15: {  	[smem:$0x3FB5] =	sst s0;
	s0 =	simm.s32 @!p2 $0x0  }
0x16: {  	s3 =	sld [smem:$0x3FDB];
	s0 =	simm.s32 @p2 $0x1  }
0x17: {  	s4 =	simm.s32 $0x1BF5;
	[smem:$0x3FB7] =	sst s0  }
0x18: {  	s0 =	sld [smem:$0x3F9A];
	_ =	swait.ge [sflag:s4], $0x0  }
0x19: {  	s7 =	sld [smem:$0x3F9B]  }
0x1a: {  	s8 =	sadd.s32 $0xFFFFE003, lr  }
0x1b: {  	s9 =	sadd.s32 $0xFFFFFEF7, lr;
	s5 =	simm.s32 $0xFFFFFFFF;
	p2 =	slt.u32 s8, $0xFFFFF086  }
0x1c: {  	p1 =	slt.u32 s9, $0xF7A;
	s5 =	simm.s32 @!p2 $0x0  }
0x1d: {  	s5 =	simm.s32 @p1 $0x1;
	p0 =	seq.s32 s7, s2  }
0x1e: {  	s7 =	smul.u32 @!p0 $0xF7A, s2;
	p2 =	seq.s32 @!p0 s5, $0x0  }
0x1f: {  	s9 =	smul.u32 $0xF7A, s1;
	s8 =	simm.s32 @!p0 $0x1BF5;
	p2 =	por !p2, p0  }
0x20: {  	[sflag:s8] =	ssyncset.s32 @!p0 $0xFFFFF086;
	s6 =	sadd.s32 @!p0 s3, s7;
	s7 =	simm.s32 @!p0 $0x108  }
0x21: {  	s3 =	sadd.s32 s3, s9;
	s6 =	sadd.s32 @!p0 $0x88, s6;
	s7 =	simm.s32 @p2 $0x1082  }
0x22: {  	[simem:s7], [sflag:s8] =	dma.local @!p0 [hbm:s6], $0xF7A  }
0x23: {  	s9 =	sor.u32 $0xD0000000, s2;
	s6 =	simm.s32 $0x108;
	_ =	swait.ge @!p0 [sflag:s8], $0x0  }
0x24: {  	s3 =	sadd.s32 $0x88, s3;
	s6 =	simm.s32 @!p1 $0x1082;
	[sflag:s4] =	ssyncset.s32 $0xFFFFF086  }
0x25: {  	[simem:s6], [sflag:s4] =	dma.local [hbm:s3], $0xF7A  }
0x26: {  	[smem:$0x3F9B] =	sst s1;
	(tag) =	ssettag s2;
	_ =	strace s9  }
0x27: {  	s1 =	sld [smem:$0x3FAB]  }
0x28: {  	s2 =	sld [smem:$0x3FAC]  }
0x29: {  	s4 =	sld [smem:$0x3FAE]  }
0x2a: {  	p0 =	seq.s32 s5, $0x0;
	s5 =	sld [smem:$0x3FAF]  }
0x2b: {  	s6 =	sld [smem:$0x3FB0]  }
0x2c: {  	s7 =	sld [smem:$0x3FB1]  }
0x2d: {  	s3 =	simm.s32 $0x108;
	s8 =	sld [smem:$0x3FB2]  }
0x2e: {  	s3 =	simm.s32 @!p0 $0x1082;
	s9 =	sld [smem:$0x3FB3]  }
0x2f: {  	lr =	sadd.s32 s0, s3;
	s0 =	sld [smem:$0x3FAA]  }
0x30: {  	s3 =	sld [smem:$0x3FAD]  }
0x31: {  	[smem:$0x3FB6] =	sst s10  }
0x32: {  	s10 =	sld [smem:$0x3FB4];
	_ =	sdelay $0x3  }
0x33: {  	p0 =	seq.s32 s10, $0x1;
	s10 =	sld [smem:$0x3FB6];
	_ =	sdelay $0x3  }
0x34: {  	[smem:$0x3FB6] =	sst s10  }
0x35: {  	s10 =	sld [smem:$0x3FB5];
	_ =	sdelay $0x3  }
0x36: {  	p1 =	seq.s32 s10, $0x1;
	s10 =	sld [smem:$0x3FB6];
	_ =	sdelay $0x3  }
0x37: {  	[smem:$0x3FB6] =	sst s10  }
0x38: {  	s10 =	sld [smem:$0x3FB7]  }
0x39: {  	_ = 	snop;
	(pc) =	sbr.ind lr, $3  }
0x3a: {  	_ = 	snop  }
0x3b: {  	_ = 	snop  }
0x3c: {  	p2 =	seq.s32 s10, $0x1;
	s10 =	sld [smem:$0x3FB6]  }
0x3d: {  	_ =	shalt  }
0x3e: {  	_ =	shalt  }
0x3f: {  	_ =	shalt  }
0x40: {  	_ =	shalt  }
0x41: {  	_ =	shalt  }
0x42: {  	_ =	shalt  }
0x43: {  	_ =	shalt  }
0x44: {  	_ =	shalt  }
0x45: {  	_ =	shalt  }
0x46: {  	_ =	shalt  }
0x47: {  	_ =	shalt  }
0x48: {  	_ =	shalt  }
0x49: {  	_ =	shalt  }
0x4a: {  	_ =	shalt  }
0x4b: {  	_ =	shalt  }
0x4c: {  	_ =	shalt  }
0x4d: {  	_ =	shalt  }
0x4e: {  	_ =	shalt  }
0x4f: {  	_ =	shalt  }
0x50: {  	_ =	shalt  }
0x51: {  	_ =	shalt  }
0x52: {  	_ =	shalt  }
0x53: {  	_ =	shalt  }
0x54: {  	_ =	shalt  }
0x55: {  	_ =	shalt  }
0x56: {  	_ =	shalt  }
0x57: {  	_ =	shalt  }
0x58: {  	_ =	shalt  }
0x59: {  	_ =	shalt  }
0x5a: {  	_ =	shalt  }
0x5b: {  	_ =	shalt  }
0x5c: {  	_ =	shalt  }
0x5d: {  	_ =	shalt  }
0x5e: {  	_ =	shalt  }
0x5f: {  	_ =	shalt  }
0x60: {  	_ =	shalt  }
0x61: {  	_ =	shalt  }
0x62: {  	_ =	shalt  }
0x63: {  	_ =	shalt  }
0x64: {  	_ =	shalt  }
0x65: {  	_ =	shalt  }
0x66: {  	_ =	shalt  }
0x67: {  	_ =	shalt  }
0x68: {  	_ =	shalt  }
0x69: {  	_ =	shalt  }
0x6a: {  	_ =	shalt  }
0x6b: {  	_ =	shalt  }
0x6c: {  	_ =	shalt  }
0x6d: {  	_ =	shalt  }
0x6e: {  	_ =	shalt  }
0x6f: {  	_ =	shalt  }
0x70: {  	_ =	shalt  }
0x71: {  	_ =	shalt  }
0x72: {  	_ =	shalt  }
0x73: {  	_ =	shalt  }
0x74: {  	_ =	shalt  }
0x75: {  	_ =	shalt  }
0x76: {  	_ =	shalt  }
0x77: {  	_ =	shalt  }
0x78: {  	_ =	shalt  }
0x79: {  	_ =	shalt  }
0x7a: {  	_ =	shalt  }
0x7b: {  	_ =	shalt  }
0x7c: {  	_ =	shalt  }
0x7d: {  	_ =	shalt  }
0x7e: {  	_ =	shalt  }
0x7f: {  	_ =	shalt  }
0x80: {  	_ =	shalt  }
0x81: {  	_ =	shalt  }
0x82: {  	_ =	shalt  }
0x83: {  	_ =	shalt  }
0x84: {  	_ =	shalt  }
0x85: {  	_ =	shalt  }
0x86: {  	_ =	shalt  }
0x87: {  	_ =	shalt  }
.Lfunc_end0:
.L_simem_size_0:
called_computation.1_lowered:
.L_overlay_start_0:
0x88: {  	s2 =	sld [smem:$0x3FD9]  }
0x89: {  	s3 =	sld [smem:$0x3FFE];
	_ =	sdelay $0x1  }
0x8a: {  	s1 =	srdreg.scid  }
0x8b: {  	s0 =	sand.u32 $0x1, s1  }
0x8c: {  	s16 =	sshll.u32 s0, $0xA;
	s2 =	sadd.s32 s3, s2  }
0x8d: {  	s2 =	sadd.s32 s2, s16  }
0x8e: {  	[smem:$0x3FC2] =	sst s2  }
0x8f: {  	_ = 	snop  }
0x90: {  	(tm) =	ssettm $0x1  }
0x91: {  	s17 =	sld [smem:$0x3FFB];
	_ =	sdelay $0x3  }
0x92: {  	_ =	strace s17  }
0x93: {  	s2 =	sld [smem:$0x3FFC];
	_ =	sdelay $0x3  }
0x94: {  	_ =	strace s2  }
0x95: {  	s2 =	sld [smem:$0x3FFD];
	_ =	sdelay $0x3  }
0x96: {  	_ =	strace s2  }
0x97: {  	_ =	strace $0x8FFFFFFF  }
0x98: {  	s18 =	sld [smem:$0x3FDB];
	_ =	sdelay $0x1  }
0x99: {  	s19 =	simm.s32 $_scs_section_size  }
0x9a: {  	s4 =	simm.s32 $_size__tile_overlayer_lowered;
	s5 =	simm.s32 $_tile_overlayer_lowered  }
0x9b: {  	s22 =	simm.s32 $0x1BFF;
	s21 =	sshll.u32 s5, $0x1;
	s2 =	sadd.s32 s19, s18  }
0x9c: {  	s6 =	simm.s32 $0x0;
	s20 =	sshll.u32 s4, $0x1;
	s4 =	sadd.s32 s21, s2  }
0x9d: {  	[timem:s6], [sflag:s22] =	dma.local [hbm:s4], s20  }
0x9e: {  	_ =	swait.ge [sflag:s22], s20  }
0x9f: {  	s3 =	ssub.s32 $0x0, s20;
	[sflag:s22] =	ssyncset.done $0x0  }
0xa0: {  	[sflag:s22] =	ssyncadd.s32 s3;
	_ =	sdelay $0x1  }
0xa1: {  	s23 =	simm.s32 $0x1B8B  }
0xa2: {  	_ =	swait.ge [sflag:s23], $0x1  }
0xa3: {  	[sflag:s23] =	ssyncset.done $0x0  }
0xa4: {  	s25 =	simm.s32 $0x1B8E;
	s24 =	sld [smem:$0x3FFE];
	[sflag:s23] =	ssyncadd.s32 $0xFFFFFFFF  }
0xa5: {  	s26 =	simm.s32 $execute0_lowered;
	[smem:$0x3FD2] =	sst s25  }
0xa6: {  	s4 =	sshll.u32 s26, $0x1;
	_ =	strace $0x80000049;
	[dreg:$0x1] =	wrdreg $0xFFFFFFFF  }
0xa7: {  	s28 =	simm.s32 $_size_execute0_lowered;
	s2 =	sadd.s32 s2, s4;
	[dreg:$0x0] =	wrdreg $0x0  }
0xa8: {  	s4 =	sshll.u32 s28, $0x1;
	[dreg:$0x2] =	wrdreg s2  }
0xa9: {  	[dreg:$0x3] =	wrdreg s4  }
0xaa: {  	[dreg:$0x4] =	wrdreg $0xC0  }
0xab: {  	_ =	task [dreg:s6], $0x5FFFF  }
0xac: {  	[dreg:$0x1] =	wrdreg $0xFFFFFFFF  }
0xad: {  	[dreg:$0x0] =	wrdreg $0x60  }
0xae: {  	[dreg:$0x2] =	wrdreg s24  }
0xaf: {  	[dreg:$0x3] =	wrdreg $0x150000  }
0xb0: {  	[dreg:$0x4] =	wrdreg $0x177800  }
0xb1: {  	[dreg:$0x5] =	wrdreg $0x9  }
0xb2: {  	_ =	task.clear_ibuf [dreg:s6], $0x6FFFF;
	_ =	strace $0x90000049  }
0xb3: {  	s29 =	simm.s32 $0x9;
	_ =	strace $0x8000004B  }
0xb4: {  	_ =	swait.ge [sflag:s29], $0x1  }
0xb5: {  	[sflag:s29] =	ssyncadd.s32 $0xFFFFFFFF  }
0xb6: {  	_ =	strace $0x9000004B  }
0xb7: {  	_ =	sfence  }
0xb8: {  	s30 =	sld [smem:$0x0];
	_ =	sdelay $0x2  }
0xb9: {  	s31 =	sshll.u32 s1, $0xD;
	s1 =	sshrl.u32 s1, $0x2  }
0xba: {  	s3 =	sand.u32 $0x4000, s31;
	s1 =	sadd.s32 s1, s30  }
0xbb: {  	s0 =	sor.u32 s3, s0;
	s1 =	sshll.u32 s1, $0x11  }
0xbc: {  	s0 =	sor.u32 s1, s0  }
0xbd: {  	s0 =	sadd.s32 $0x8F2B, s0  }
0xbe: {  	[sflag:s0] =	ssyncadd.remote.s32 $0x1  }
0xbf: {  	_ =	sfence.sel $0xFFFF  }
0xc0: {  	[dreg:$0x0] =	wrdreg $0xFFFFFFFF;
	(pc) =	sbr.abs _section_cstart, $3  }
0xc1: {  	[dreg:$0x1] =	wrdreg $0xFFFFFFFF  }
0xc2: {  	_ =	task.clear_ibuf [dreg:s6], $0x2FFFF;
	_ =	strace $0x9FFFFFFF  }
0xc3: {  	(tm) =	ssettm $0x7FFFFFFF  }
tec
execute0_lowered:
.L_overlay_start_1:
0x0: {  	(tag) =	ssettag $0x1  }
0x1: {  	s0 =	srdreg.scid  }
0x2: {  	s30 =	sand.u32 $0x1, s0  }
0x3: {  	s0 =	stileid.u32;
	s1 =	sshll.u32 s30, $0x4  }
0x4: {  	s29 =	rddreg [dreg:$0x0];
	s5 =	sor.u32 s0, s1  }
0x5: {  	s2 =	rddreg [dreg:$0x1];
	s5 =	smul.u32 $0x500, s5  }
0x6: {  	s3 =	rddreg [dreg:$0x2];
	s4 =	simm.s32 $0x0  }
0x7: {  	[smem:$0x7FF] =	sst s4;
	s7 =	sadd.s32 s5, s29  }
0x8: {  	_ =	strace $0x8000004A;
	s5 =	simm.s32 $0x5;
	s6 =	sadd.s32 $0xD200, s7  }
0x9: {  	[tilespmem:s4], [sflag:$0x5] =	stream.linear.gather [hbm4b:s6+s4], $0x2800, $0x38;
	[tilespmem:$0x19F00] =	vst v63  }
0xa: {  	_ =	swait.ge [sflag:s5], $0x2800  }
0xb: {  	s8 =	simm.s32 $0x2800;
	s31 =	smul.u32 $0x2780, s0;
	[sflag:s5] =	ssyncset.done $0x0  }
0xc: {  	s10 =	sshll.u32 s0, $0x6;
	s7 =	sadd.s32 $0x3200, s7;
	[sflag:s5] =	ssyncadd.s32 $0xFFFFD800  }
0xd: {  	[tilespmem:s8], [sflag:$0x5] =	stream.linear.gather [hbm4b:s7+s4], $0x2800, $0x38;
	[tilespmem:$0x19F00] =	vst v63  }
0xe: {  	s10 =	sor.u32 $0x1C05, s10;
	s9 =	sshrl.u32 s31, $0x3;
	_ =	swait.ge [sflag:s5], $0x2800  }
0xf: {  	s11 =	sadd.s32 s31, s2;
	s12 =	sadd.s32 s9, s29;
	[sflag:s5] =	ssyncset.done $0x0  }
0x10: {  	s11 =	sshrl.u32 s11, $0x3;
	s9 =	sadd.s32 $0x1C200, s12;
	[sflag:s5] =	ssyncadd.s32 $0xFFFFD800  }
0x11: {  	[spmem:s11], [sflag:s10] =	dma.local [hbm:s9], $0x4F0  }
0x12: {  	_ =	swait.ge [sflag:s5], $0x4F0  }
0x13: {  	s13 =	sadd.s32 s31, s3;
	[sflag:s5] =	ssyncset.done $0x0  }
0x14: {  	s13 =	sshrl.u32 s13, $0x3;
	s12 =	sadd.s32 $0x17200, s12;
	[sflag:s5] =	ssyncadd.s32 $0xFFFFFB10  }
0x15: {  	[spmem:s13], [sflag:s10] =	dma.local [hbm:s12], $0x4F0  }
0x16: {  	_ =	swait.ge [sflag:s5], $0x4F0  }
0x17: {  	[sflag:s5] =	ssyncset.done $0x0  }
0x18: {  	[sflag:s5] =	ssyncadd.s32 $0xFFFFFB10  }
0x19: {  	s14 =	simm.s32 $0x800;
	s15 =	simm.s32 $0x5000;
	[bflag:$0x0] =	sbarrier.arrive $0xFFFF  }
0x1a: {  	[tilespmem:s15], [sflag:$0x1] =	stream.indirect.gather [spmem:s2], $0x10, s4, s14, $0xb8;
	[tilespmem:$0x19F00] =	vst v63  }
0x1b: {  	s16 =	simm.s32 $0xD000;
	s17 =	simm.s32 $0x1  }
0x1c: {  	[tilespmem:s16], [sflag:$0x2] =	stream.indirect.gather [spmem:s2], $0x10, s14, s14, $0xb8;
	[tilespmem:$0x19F00] =	vst v63  }
0x1d: {  	_ =	swait.ge [sflag:s17], $0x8000  }
0x1e: {  	[sflag:s17] =	ssyncset.done $0x0  }
0x1f: {  	s18 =	simm.s32 $0x2;
	[sflag:s17] =	ssyncadd.s32 $0xFFFF8000  }
0x20: {  	[spmem:s3] =	stream.indirect.scatter.add.f32 [tilespmem:s15], [sflag:$0x3], $0x10, s8, s14, $0xb8;
	[tilespmem:$0x19F00] =	vst v63  }
0x21: {  	_ =	swait.ge [sflag:s18], $0x8000  }
0x22: {  	[sflag:s18] =	ssyncset.done $0x0  }
0x23: {  	s19 =	simm.s32 $0x3000;
	s20 =	simm.s32 $0x3;
	[sflag:s18] =	ssyncadd.s32 $0xFFFF8000  }
0x24: {  	[spmem:s3] =	stream.indirect.scatter.add.f32 [tilespmem:s16], [sflag:$0x4], $0x10, s19, s14, $0xb8;
	[tilespmem:$0x19F00] =	vst v63  }
0x25: {  	_ =	swait.ge [sflag:s20], $0x8000  }
0x26: {  	[sflag:s20] =	ssyncset.done $0x0  }
0x27: {  	s21 =	simm.s32 $0x1000;
	[sflag:s20] =	ssyncadd.s32 $0xFFFF8000  }
0x28: {  	[tilespmem:s15], [sflag:$0x1] =	stream.indirect.gather [spmem:s2], $0x10, s21, s14, $0xb8;
	[tilespmem:$0x19F00] =	vst v63  }
0x29: {  	_ =	swait.ge [sflag:s17], $0x8000  }
0x2a: {  	[sflag:s17] =	ssyncset.done $0x0  }
0x2b: {  	s22 =	simm.s32 $0x3800;
	s23 =	simm.s32 $0x4;
	[sflag:s17] =	ssyncadd.s32 $0xFFFF8000  }
0x2c: {  	[spmem:s3] =	stream.indirect.scatter.add.f32 [tilespmem:s15], [sflag:$0x3], $0x10, s22, s14, $0xb8;
	[tilespmem:$0x19F00] =	vst v63  }
0x2d: {  	_ =	swait.ge [sflag:s23], $0x8000  }
0x2e: {  	[sflag:s23] =	ssyncset.done $0x0  }
0x2f: {  	s24 =	simm.s32 $0x1800;
	[sflag:s23] =	ssyncadd.s32 $0xFFFF8000  }
0x30: {  	[tilespmem:s16], [sflag:$0x2] =	stream.indirect.gather [spmem:s2], $0x10, s24, s14, $0xb8;
	[tilespmem:$0x19F00] =	vst v63  }
0x31: {  	_ =	swait.ge [sflag:s18], $0x8000  }
0x32: {  	[sflag:s18] =	ssyncset.done $0x0  }
0x33: {  	s25 =	simm.s32 $0x4000;
	[sflag:s18] =	ssyncadd.s32 $0xFFFF8000  }
0x34: {  	[spmem:s3] =	stream.indirect.scatter.add.f32 [tilespmem:s16], [sflag:$0x4], $0x10, s25, s14, $0xb8;
	[tilespmem:$0x19F00] =	vst v63  }
0x35: {  	_ =	swait.ge [sflag:s20], $0x8000  }
0x36: {  	[sflag:s20] =	ssyncset.done $0x0  }
0x37: {  	s26 =	simm.s32 $0x2000;
	[sflag:s20] =	ssyncadd.s32 $0xFFFF8000  }
0x38: {  	[tilespmem:s15], [sflag:$0x1] =	stream.indirect.gather [spmem:s2], $0x10, s26, s14, $0xb8;
	[tilespmem:$0x19F00] =	vst v63  }
0x39: {  	_ =	swait.ge [sflag:s17], $0x8000  }
0x3a: {  	[sflag:s17] =	ssyncset.done $0x0  }
0x3b: {  	s28 =	simm.s32 $0x4800;
	s1 =	smul.u32 $0x27800, s30;
	[sflag:s17] =	ssyncadd.s32 $0xFFFF8000  }
0x3c: {  	[spmem:s3] =	stream.indirect.scatter.add.f32 [tilespmem:s15], [sflag:$0x3], $0x10, s28, s14, $0xb8;
	[tilespmem:$0x19F00] =	vst v63  }
0x3d: {  	s30 =	ssub.s32 $0x2, s30;
	_ =	swait.ge [sflag:s23], $0x8000  }
0x3e: {  	s1 =	sadd.s32 s31, s1;
	s31 =	sshrl.u32 s30, $0x1;
	[sflag:s23] =	ssyncset.done $0x0  }
0x3f: {  	s30 =	ssub.s32 s30, s31;
	[sflag:s23] =	ssyncadd.s32 $0xFFFF8000  }
0x40: {  	s31 =	smax.u32 s30, $0x1;
	_ =	swait.ge [sflag:s20], $0x8000  }
0x41: {  	s1 =	sshrl.u32 s1, $0x3;
	p0 =	sne.s32 s31, $0x1;
	[sflag:s20] =	ssyncset.done $0x0  }
.Ltmp0:
0x42: {  	s1 =	sadd.s32 s1, s29;
	[sflag:s20] =	ssyncadd.s32 $0xFFFF8000;
	(pc) =	sbr.rel @!p0 .LBB2_2-.Ltmp0, $4  }
0x43: {  	s29 =	sadd.s32 $0x21200, s1;
	[bflag:$0x0] =	sbarrier.arrive $0xFFFF  }
0x44: {  	[hbm:s29], [sflag:s10] =	dma.local [spmem:s13], $0x4F0  }
0x45: {  	_ =	swait.ge [sflag:s5], $0x4F0  }
0x46: {  	s30 =	sadd.s32 $0xFFFFFFFF, s31;
	[sflag:s5] =	ssyncset.done $0x0  }
.LBB2_1:
0x47: {  	p0 =	sne.s32 s30, $0x1;
	s30 =	sadd.s32 $0xFFFFFFFF, s30;
	[sflag:s5] =	ssyncadd.s32 $0xFFFFFB10  }
0x48: {  	[tilespmem:s4], [sflag:$0x5] =	stream.linear.gather [hbm4b:s6+s4], $0x2800, $0x38;
	[tilespmem:$0x19F00] =	vst v63  }
0x49: {  	_ =	swait.ge [sflag:s5], $0x2800  }
0x4a: {  	[sflag:s5] =	ssyncset.done $0x0  }
0x4b: {  	[sflag:s5] =	ssyncadd.s32 $0xFFFFD800  }
0x4c: {  	[tilespmem:s8], [sflag:$0x5] =	stream.linear.gather [hbm4b:s7+s4], $0x2800, $0x38;
	[tilespmem:$0x19F00] =	vst v63  }
0x4d: {  	_ =	swait.ge [sflag:s5], $0x2800  }
0x4e: {  	[sflag:s5] =	ssyncset.done $0x0  }
0x4f: {  	[sflag:s5] =	ssyncadd.s32 $0xFFFFD800  }
0x50: {  	[spmem:s11], [sflag:s10] =	dma.local [hbm:s9], $0x4F0  }
0x51: {  	_ =	swait.ge [sflag:s5], $0x4F0  }
0x52: {  	[sflag:s5] =	ssyncset.done $0x0  }
0x53: {  	[sflag:s5] =	ssyncadd.s32 $0xFFFFFB10  }
0x54: {  	[spmem:s13], [sflag:s10] =	dma.local [hbm:s12], $0x4F0  }
0x55: {  	_ =	swait.ge [sflag:s5], $0x4F0  }
0x56: {  	[sflag:s5] =	ssyncset.done $0x0  }
0x57: {  	[sflag:s5] =	ssyncadd.s32 $0xFFFFFB10  }
0x58: {  	[bflag:$0x0] =	sbarrier.arrive $0xFFFF  }
0x59: {  	[tilespmem:s15], [sflag:$0x1] =	stream.indirect.gather [spmem:s2], $0x10, s4, s14, $0xb8;
	[tilespmem:$0x19F00] =	vst v63  }
0x5a: {  	_ = 	snop  }
0x5b: {  	[tilespmem:s16], [sflag:$0x2] =	stream.indirect.gather [spmem:s2], $0x10, s14, s14, $0xb8;
	[tilespmem:$0x19F00] =	vst v63  }
0x5c: {  	_ =	swait.ge [sflag:s17], $0x8000  }
0x5d: {  	[sflag:s17] =	ssyncset.done $0x0  }
0x5e: {  	[sflag:s17] =	ssyncadd.s32 $0xFFFF8000  }
0x5f: {  	[spmem:s3] =	stream.indirect.scatter.add.f32 [tilespmem:s15], [sflag:$0x3], $0x10, s8, s14, $0xb8;
	[tilespmem:$0x19F00] =	vst v63  }
0x60: {  	_ =	swait.ge [sflag:s18], $0x8000  }
0x61: {  	[sflag:s18] =	ssyncset.done $0x0  }
0x62: {  	[sflag:s18] =	ssyncadd.s32 $0xFFFF8000  }
0x63: {  	[spmem:s3] =	stream.indirect.scatter.add.f32 [tilespmem:s16], [sflag:$0x4], $0x10, s19, s14, $0xb8;
	[tilespmem:$0x19F00] =	vst v63  }
0x64: {  	_ =	swait.ge [sflag:s20], $0x8000  }
0x65: {  	[sflag:s20] =	ssyncset.done $0x0  }
0x66: {  	[sflag:s20] =	ssyncadd.s32 $0xFFFF8000  }
0x67: {  	[tilespmem:s15], [sflag:$0x1] =	stream.indirect.gather [spmem:s2], $0x10, s21, s14, $0xb8;
	[tilespmem:$0x19F00] =	vst v63  }
0x68: {  	_ =	swait.ge [sflag:s17], $0x8000  }
0x69: {  	[sflag:s17] =	ssyncset.done $0x0  }
0x6a: {  	[sflag:s17] =	ssyncadd.s32 $0xFFFF8000  }
0x6b: {  	[spmem:s3] =	stream.indirect.scatter.add.f32 [tilespmem:s15], [sflag:$0x3], $0x10, s22, s14, $0xb8;
	[tilespmem:$0x19F00] =	vst v63  }
0x6c: {  	_ =	swait.ge [sflag:s23], $0x8000  }
0x6d: {  	[sflag:s23] =	ssyncset.done $0x0  }
0x6e: {  	[sflag:s23] =	ssyncadd.s32 $0xFFFF8000  }
0x6f: {  	[tilespmem:s16], [sflag:$0x2] =	stream.indirect.gather [spmem:s2], $0x10, s24, s14, $0xb8;
	[tilespmem:$0x19F00] =	vst v63  }
0x70: {  	_ =	swait.ge [sflag:s18], $0x8000  }
0x71: {  	[sflag:s18] =	ssyncset.done $0x0  }
0x72: {  	[sflag:s18] =	ssyncadd.s32 $0xFFFF8000  }
0x73: {  	[spmem:s3] =	stream.indirect.scatter.add.f32 [tilespmem:s16], [sflag:$0x4], $0x10, s25, s14, $0xb8;
	[tilespmem:$0x19F00] =	vst v63  }
0x74: {  	_ =	swait.ge [sflag:s20], $0x8000  }
0x75: {  	[sflag:s20] =	ssyncset.done $0x0  }
0x76: {  	[sflag:s20] =	ssyncadd.s32 $0xFFFF8000  }
0x77: {  	[tilespmem:s15], [sflag:$0x1] =	stream.indirect.gather [spmem:s2], $0x10, s26, s14, $0xb8;
	[tilespmem:$0x19F00] =	vst v63  }
0x78: {  	_ =	swait.ge [sflag:s17], $0x8000  }
0x79: {  	[sflag:s17] =	ssyncset.done $0x0  }
0x7a: {  	[sflag:s17] =	ssyncadd.s32 $0xFFFF8000  }
0x7b: {  	[spmem:s3] =	stream.indirect.scatter.add.f32 [tilespmem:s15], [sflag:$0x3], $0x10, s28, s14, $0xb8;
	[tilespmem:$0x19F00] =	vst v63  }
0x7c: {  	_ =	swait.ge [sflag:s23], $0x8000  }
0x7d: {  	[sflag:s23] =	ssyncset.done $0x0  }
0x7e: {  	[sflag:s23] =	ssyncadd.s32 $0xFFFF8000  }
0x7f: {  	_ =	swait.ge [sflag:s20], $0x8000  }
0x80: {  	[sflag:s20] =	ssyncset.done $0x0  }
.Ltmp1:
0x81: {  	[sflag:s20] =	ssyncadd.s32 $0xFFFF8000;
	(pc) =	sbr.rel @p0 .LBB2_1-.Ltmp1, $4  }
0x82: {  	[bflag:$0x0] =	sbarrier.arrive $0xFFFF  }
0x83: {  	[hbm:s29], [sflag:s10] =	dma.local [spmem:s13], $0x4F0  }
0x84: {  	_ =	swait.ge [sflag:s5], $0x4F0  }
0x85: {  	[sflag:s5] =	ssyncset.done $0x0  }
.LBB2_2:
0x86: {  	[sflag:s5] =	ssyncadd.s32 $0xFFFFFB10  }
0x87: {  	_ =	sfence.sel $0x180000  }
0x88: {  	[bflag:$0x0] =	sbarrier.arrive $0xFFFF  }
0x89: {  	_ =	strace $0x9000004A  }
0x8a: {  	[bflag:$0x2] =	sbarrier.arrive $0xFFFF  }
0x8b: {  	p0 =	sne.s32 s0, $0x0;
	s0 =	rddreg [dreg:$0x3]  }
0x8c: {  	s0 =	sadd.s32 @!p0 $0x100000, s0  }
0x8d: {  	[sflag:s0] =	ssyncadd.tile.s32 @!p0 $0x1;
	_ =	shalt  }
.Lfunc_end2:
_tile_overlayer_lowered:
.L_overlay_start_2:
0x8e: {  	(tag) =	ssettag $0x2  }
0x8f: {  	s0 =	rddreg [dreg:$0x0];
	s2 =	stileid.u32  }
0x90: {  	s1 =	rddreg [dreg:$0x1];
	p0 =	sne.s32 s2, $0x0  }
0x91: {  	s3 =	rddreg [dreg:$0x2];
	[bflag:$0x3] =	sbarrier.arrive $0xFFFF;
	s2 =	simm.s32 @!p0 $0x1C05  }
0x92: {  	[timem:s3], [sflag:s2] =	dma.local @!p0 [hbm:s0], s1  }
0x93: {  	s0 =	simm.s32 @!p0 $0x5  }
0x94: {  	_ =	swait.ge @!p0 [sflag:s0], s1  }
0x95: {  	s1 =	ssub.s32 @!p0 $0x0, s1;
	[sflag:s0] =	ssyncset.done @!p0 $0x0  }
0x96: {  	[sflag:s0] =	ssyncadd.s32 @!p0 s1  }
0x97: {  	[bflag:$0x3] =	sbarrier.arrive $0xFFFF  }
0x98: {  	_ =	shalt  }

// kernel: kernel.16.cloned.1.call-start
scs
__scs_entry_jumppad:
0x0: {  	(pc) =	sbr.rel $0x88, $3  }
0x1: {  	(tag) =	ssettag $0x0;
	lr =	simm.s32 $0x1  }
0x2: {  	[smem:$0x3F9B] =	sst lr;
	_ =	strace $0xD0000000  }
0x3: {  	_ = 	snop  }
0x4: {  	_ = 	snop  }
0x5: {  	_ = 	snop  }
0x6: {  	_ = 	snop  }
0x7: {  	_ = 	snop  }
__scs_overlays_trampoline_lowered:
0x8: {  	[smem:$0x3FAA] =	sst s0  }
0x9: {  	[smem:$0x3FAB] =	sst s1  }
0xa: {  	[smem:$0x3FAC] =	sst s2  }
0xb: {  	[smem:$0x3FAD] =	sst s3  }
0xc: {  	[smem:$0x3FAE] =	sst s4  }
0xd: {  	[smem:$0x3FAF] =	sst s5  }
0xe: {  	[smem:$0x3FB0] =	sst s6  }
0xf: {  	[smem:$0x3FB1] =	sst s7  }
0x10: {  	[smem:$0x3FB2] =	sst s8  }
0x11: {  	[smem:$0x3FB3] =	sst s9;
	s0 =	simm.s32 @!p0 $0x0  }
0x12: {  	s1 =	sld [smem:$0x3F99];
	s0 =	simm.s32 @p0 $0x1  }
0x13: {  	[smem:$0x3FB4] =	sst s0;
	s0 =	simm.s32 @!p1 $0x0  }
0x14: {  	s2 =	sld [smem:$0x3F98];
	s0 =	simm.s32 @p1 $0x1  }
0x15: {  	[smem:$0x3FB5] =	sst s0;
	s0 =	simm.s32 @!p2 $0x0  }
0x16: {  	s3 =	sld [smem:$0x3FDB];
	s0 =	simm.s32 @p2 $0x1  }
0x17: {  	s4 =	simm.s32 $0x1BF5;
	[smem:$0x3FB7] =	sst s0  }
0x18: {  	s0 =	sld [smem:$0x3F9A];
	_ =	swait.ge [sflag:s4], $0x0  }
0x19: {  	s7 =	sld [smem:$0x3F9B]  }
0x1a: {  	s8 =	sadd.s32 $0xFFFFE003, lr  }
0x1b: {  	s9 =	sadd.s32 $0xFFFFFEF7, lr;
	s5 =	simm.s32 $0xFFFFFFFF;
	p2 =	slt.u32 s8, $0xFFFFF086  }
0x1c: {  	p1 =	slt.u32 s9, $0xF7A;
	s5 =	simm.s32 @!p2 $0x0  }
0x1d: {  	s5 =	simm.s32 @p1 $0x1;
	p0 =	seq.s32 s7, s2  }
0x1e: {  	s7 =	smul.u32 @!p0 $0xF7A, s2;
	p2 =	seq.s32 @!p0 s5, $0x0  }
0x1f: {  	s9 =	smul.u32 $0xF7A, s1;
	s8 =	simm.s32 @!p0 $0x1BF5;
	p2 =	por !p2, p0  }
0x20: {  	[sflag:s8] =	ssyncset.s32 @!p0 $0xFFFFF086;
	s6 =	sadd.s32 @!p0 s3, s7;
	s7 =	simm.s32 @!p0 $0x108  }
0x21: {  	s3 =	sadd.s32 s3, s9;
	s6 =	sadd.s32 @!p0 $0x88, s6;
	s7 =	simm.s32 @p2 $0x1082  }
0x22: {  	[simem:s7], [sflag:s8] =	dma.local @!p0 [hbm:s6], $0xF7A  }
0x23: {  	s9 =	sor.u32 $0xD0000000, s2;
	s6 =	simm.s32 $0x108;
	_ =	swait.ge @!p0 [sflag:s8], $0x0  }
0x24: {  	s3 =	sadd.s32 $0x88, s3;
	s6 =	simm.s32 @!p1 $0x1082;
	[sflag:s4] =	ssyncset.s32 $0xFFFFF086  }
0x25: {  	[simem:s6], [sflag:s4] =	dma.local [hbm:s3], $0xF7A  }
0x26: {  	[smem:$0x3F9B] =	sst s1;
	(tag) =	ssettag s2;
	_ =	strace s9  }
0x27: {  	s1 =	sld [smem:$0x3FAB]  }
0x28: {  	s2 =	sld [smem:$0x3FAC]  }
0x29: {  	s4 =	sld [smem:$0x3FAE]  }
0x2a: {  	p0 =	seq.s32 s5, $0x0;
	s5 =	sld [smem:$0x3FAF]  }
0x2b: {  	s6 =	sld [smem:$0x3FB0]  }
0x2c: {  	s7 =	sld [smem:$0x3FB1]  }
0x2d: {  	s3 =	simm.s32 $0x108;
	s8 =	sld [smem:$0x3FB2]  }
0x2e: {  	s3 =	simm.s32 @!p0 $0x1082;
	s9 =	sld [smem:$0x3FB3]  }
0x2f: {  	lr =	sadd.s32 s0, s3;
	s0 =	sld [smem:$0x3FAA]  }
0x30: {  	s3 =	sld [smem:$0x3FAD]  }
0x31: {  	[smem:$0x3FB6] =	sst s10  }
0x32: {  	s10 =	sld [smem:$0x3FB4];
	_ =	sdelay $0x3  }
0x33: {  	p0 =	seq.s32 s10, $0x1;
	s10 =	sld [smem:$0x3FB6];
	_ =	sdelay $0x3  }
0x34: {  	[smem:$0x3FB6] =	sst s10  }
0x35: {  	s10 =	sld [smem:$0x3FB5];
	_ =	sdelay $0x3  }
0x36: {  	p1 =	seq.s32 s10, $0x1;
	s10 =	sld [smem:$0x3FB6];
	_ =	sdelay $0x3  }
0x37: {  	[smem:$0x3FB6] =	sst s10  }
0x38: {  	s10 =	sld [smem:$0x3FB7]  }
0x39: {  	_ = 	snop;
	(pc) =	sbr.ind lr, $3  }
0x3a: {  	_ = 	snop  }
0x3b: {  	_ = 	snop  }
0x3c: {  	p2 =	seq.s32 s10, $0x1;
	s10 =	sld [smem:$0x3FB6]  }
0x3d: {  	_ =	shalt  }
0x3e: {  	_ =	shalt  }
0x3f: {  	_ =	shalt  }
0x40: {  	_ =	shalt  }
0x41: {  	_ =	shalt  }
0x42: {  	_ =	shalt  }
0x43: {  	_ =	shalt  }
0x44: {  	_ =	shalt  }
0x45: {  	_ =	shalt  }
0x46: {  	_ =	shalt  }
0x47: {  	_ =	shalt  }
0x48: {  	_ =	shalt  }
0x49: {  	_ =	shalt  }
0x4a: {  	_ =	shalt  }
0x4b: {  	_ =	shalt  }
0x4c: {  	_ =	shalt  }
0x4d: {  	_ =	shalt  }
0x4e: {  	_ =	shalt  }
0x4f: {  	_ =	shalt  }
0x50: {  	_ =	shalt  }
0x51: {  	_ =	shalt  }
0x52: {  	_ =	shalt  }
0x53: {  	_ =	shalt  }
0x54: {  	_ =	shalt  }
0x55: {  	_ =	shalt  }
0x56: {  	_ =	shalt  }
0x57: {  	_ =	shalt  }
0x58: {  	_ =	shalt  }
0x59: {  	_ =	shalt  }
0x5a: {  	_ =	shalt  }
0x5b: {  	_ =	shalt  }
0x5c: {  	_ =	shalt  }
0x5d: {  	_ =	shalt  }
0x5e: {  	_ =	shalt  }
0x5f: {  	_ =	shalt  }
0x60: {  	_ =	shalt  }
0x61: {  	_ =	shalt  }
0x62: {  	_ =	shalt  }
0x63: {  	_ =	shalt  }
0x64: {  	_ =	shalt  }
0x65: {  	_ =	shalt  }
0x66: {  	_ =	shalt  }
0x67: {  	_ =	shalt  }
0x68: {  	_ =	shalt  }
0x69: {  	_ =	shalt  }
0x6a: {  	_ =	shalt  }
0x6b: {  	_ =	shalt  }
0x6c: {  	_ =	shalt  }
0x6d: {  	_ =	shalt  }
0x6e: {  	_ =	shalt  }
0x6f: {  	_ =	shalt  }
0x70: {  	_ =	shalt  }
0x71: {  	_ =	shalt  }
0x72: {  	_ =	shalt  }
0x73: {  	_ =	shalt  }
0x74: {  	_ =	shalt  }
0x75: {  	_ =	shalt  }
0x76: {  	_ =	shalt  }
0x77: {  	_ =	shalt  }
0x78: {  	_ =	shalt  }
0x79: {  	_ =	shalt  }
0x7a: {  	_ =	shalt  }
0x7b: {  	_ =	shalt  }
0x7c: {  	_ =	shalt  }
0x7d: {  	_ =	shalt  }
0x7e: {  	_ =	shalt  }
0x7f: {  	_ =	shalt  }
0x80: {  	_ =	shalt  }
0x81: {  	_ =	shalt  }
0x82: {  	_ =	shalt  }
0x83: {  	_ =	shalt  }
0x84: {  	_ =	shalt  }
0x85: {  	_ =	shalt  }
0x86: {  	_ =	shalt  }
0x87: {  	_ =	shalt  }
.Lfunc_end0:
.L_simem_size_0:
called_computation.2_lowered:
.L_overlay_start_0:
0x88: {  	s2 =	sld [smem:$0x3FD9]  }
0x89: {  	s3 =	sld [smem:$0x3FFE];
	_ =	sdelay $0x1  }
0x8a: {  	s1 =	srdreg.scid  }
0x8b: {  	s0 =	sand.u32 $0x1, s1  }
0x8c: {  	s16 =	sshll.u32 s0, $0xA;
	s2 =	sadd.s32 s3, s2  }
0x8d: {  	s2 =	sadd.s32 s2, s16  }
0x8e: {  	[smem:$0x3FC2] =	sst s2  }
0x8f: {  	_ = 	snop  }
0x90: {  	(tm) =	ssettm $0x1  }
0x91: {  	s17 =	sld [smem:$0x3FFB];
	_ =	sdelay $0x3  }
0x92: {  	_ =	strace s17  }
0x93: {  	s2 =	sld [smem:$0x3FFC];
	_ =	sdelay $0x3  }
0x94: {  	_ =	strace s2  }
0x95: {  	s2 =	sld [smem:$0x3FFD];
	_ =	sdelay $0x3  }
0x96: {  	_ =	strace s2  }
0x97: {  	_ =	strace $0x8FFFFFFF  }
0x98: {  	s18 =	sld [smem:$0x3FDB];
	_ =	sdelay $0x1  }
0x99: {  	s19 =	simm.s32 $_scs_section_size  }
0x9a: {  	s4 =	simm.s32 $_size__tile_overlayer_lowered;
	s5 =	simm.s32 $_tile_overlayer_lowered  }
0x9b: {  	s22 =	simm.s32 $0x1BFF;
	s21 =	sshll.u32 s5, $0x1;
	s2 =	sadd.s32 s19, s18  }
0x9c: {  	s6 =	simm.s32 $0x0;
	s20 =	sshll.u32 s4, $0x1;
	s4 =	sadd.s32 s21, s2  }
0x9d: {  	[timem:s6], [sflag:s22] =	dma.local [hbm:s4], s20  }
0x9e: {  	_ =	swait.ge [sflag:s22], s20  }
0x9f: {  	s3 =	ssub.s32 $0x0, s20;
	[sflag:s22] =	ssyncset.done $0x0  }
0xa0: {  	[sflag:s22] =	ssyncadd.s32 s3;
	_ =	sdelay $0x1  }
0xa1: {  	s23 =	simm.s32 $0x1B8B  }
0xa2: {  	_ =	swait.ge [sflag:s23], $0x1  }
0xa3: {  	[sflag:s23] =	ssyncset.done $0x0  }
0xa4: {  	s25 =	simm.s32 $0x1B8E;
	s24 =	sld [smem:$0x3FFE];
	[sflag:s23] =	ssyncadd.s32 $0xFFFFFFFF  }
0xa5: {  	s26 =	simm.s32 $execute0_lowered;
	[smem:$0x3FD2] =	sst s25  }
0xa6: {  	s4 =	sshll.u32 s26, $0x1;
	_ =	strace $0x8000004C;
	[dreg:$0x1] =	wrdreg $0xFFFFFFFF  }
0xa7: {  	s28 =	simm.s32 $_size_execute0_lowered;
	s2 =	sadd.s32 s2, s4;
	[dreg:$0x0] =	wrdreg $0x0  }
0xa8: {  	s4 =	sshll.u32 s28, $0x1;
	[dreg:$0x2] =	wrdreg s2  }
0xa9: {  	[dreg:$0x3] =	wrdreg s4  }
0xaa: {  	[dreg:$0x4] =	wrdreg $0xC0  }
0xab: {  	_ =	task [dreg:s6], $0x5FFFF  }
0xac: {  	[dreg:$0x1] =	wrdreg $0xFFFFFFFF  }
0xad: {  	[dreg:$0x0] =	wrdreg $0x60  }
0xae: {  	[dreg:$0x2] =	wrdreg s24  }
0xaf: {  	[dreg:$0x3] =	wrdreg $0x150000  }
0xb0: {  	[dreg:$0x4] =	wrdreg $0x177800  }
0xb1: {  	[dreg:$0x5] =	wrdreg $0x9  }
0xb2: {  	_ =	task.clear_ibuf [dreg:s6], $0x6FFFF;
	_ =	strace $0x9000004C  }
0xb3: {  	s29 =	simm.s32 $0x9;
	_ =	strace $0x8000004E  }
0xb4: {  	_ =	swait.ge [sflag:s29], $0x1  }
0xb5: {  	[sflag:s29] =	ssyncadd.s32 $0xFFFFFFFF  }
0xb6: {  	_ =	strace $0x9000004E  }
0xb7: {  	_ =	sfence  }
0xb8: {  	s30 =	sld [smem:$0x0];
	_ =	sdelay $0x2  }
0xb9: {  	s31 =	sshll.u32 s1, $0xD;
	s1 =	sshrl.u32 s1, $0x2  }
0xba: {  	s3 =	sand.u32 $0x4000, s31;
	s1 =	sadd.s32 s1, s30  }
0xbb: {  	s0 =	sor.u32 s3, s0;
	s1 =	sshll.u32 s1, $0x11  }
0xbc: {  	s0 =	sor.u32 s1, s0  }
0xbd: {  	s0 =	sadd.s32 $0x8F2B, s0  }
0xbe: {  	[sflag:s0] =	ssyncadd.remote.s32 $0x1  }
0xbf: {  	_ =	sfence.sel $0xFFFF  }
0xc0: {  	[dreg:$0x0] =	wrdreg $0xFFFFFFFF;
	(pc) =	sbr.abs _section_cstart, $3  }
0xc1: {  	[dreg:$0x1] =	wrdreg $0xFFFFFFFF  }
0xc2: {  	_ =	task.clear_ibuf [dreg:s6], $0x2FFFF;
	_ =	strace $0x9FFFFFFF  }
0xc3: {  	(tm) =	ssettm $0x7FFFFFFF  }
tec
execute0_lowered:
.L_overlay_start_1:
0x0: {  	(tag) =	ssettag $0x1  }
0x1: {  	s0 =	srdreg.scid  }
0x2: {  	s30 =	sand.u32 $0x1, s0  }
0x3: {  	s0 =	stileid.u32;
	s1 =	sshll.u32 s30, $0x4  }
0x4: {  	s29 =	rddreg [dreg:$0x0];
	s5 =	sor.u32 s0, s1  }
0x5: {  	s2 =	rddreg [dreg:$0x1];
	s5 =	smul.u32 $0x500, s5  }
0x6: {  	s3 =	rddreg [dreg:$0x2];
	s4 =	simm.s32 $0x0  }
0x7: {  	[smem:$0x7FF] =	sst s4;
	s7 =	sadd.s32 s5, s29  }
0x8: {  	_ =	strace $0x8000004D;
	s5 =	simm.s32 $0x5;
	s6 =	sadd.s32 $0xD200, s7  }
0x9: {  	[tilespmem:s4], [sflag:$0x5] =	stream.linear.gather [hbm4b:s6+s4], $0x2800, $0x38;
	[tilespmem:$0x19F00] =	vst v63  }
0xa: {  	_ =	swait.ge [sflag:s5], $0x2800  }
0xb: {  	s8 =	simm.s32 $0x2800;
	s31 =	smul.u32 $0x2780, s0;
	[sflag:s5] =	ssyncset.done $0x0  }
0xc: {  	s10 =	sshll.u32 s0, $0x6;
	s7 =	sadd.s32 $0x3200, s7;
	[sflag:s5] =	ssyncadd.s32 $0xFFFFD800  }
0xd: {  	[tilespmem:s8], [sflag:$0x5] =	stream.linear.gather [hbm4b:s7+s4], $0x2800, $0x38;
	[tilespmem:$0x19F00] =	vst v63  }
0xe: {  	s10 =	sor.u32 $0x1C05, s10;
	s9 =	sshrl.u32 s31, $0x3;
	_ =	swait.ge [sflag:s5], $0x2800  }
0xf: {  	s11 =	sadd.s32 s31, s2;
	s12 =	sadd.s32 s9, s29;
	[sflag:s5] =	ssyncset.done $0x0  }
0x10: {  	s11 =	sshrl.u32 s11, $0x3;
	s9 =	sadd.s32 $0x1C200, s12;
	[sflag:s5] =	ssyncadd.s32 $0xFFFFD800  }
0x11: {  	[spmem:s11], [sflag:s10] =	dma.local [hbm:s9], $0x4F0  }
0x12: {  	_ =	swait.ge [sflag:s5], $0x4F0  }
0x13: {  	s13 =	sadd.s32 s31, s3;
	[sflag:s5] =	ssyncset.done $0x0  }
0x14: {  	s13 =	sshrl.u32 s13, $0x3;
	s12 =	sadd.s32 $0x17200, s12;
	[sflag:s5] =	ssyncadd.s32 $0xFFFFFB10  }
0x15: {  	[spmem:s13], [sflag:s10] =	dma.local [hbm:s12], $0x4F0  }
0x16: {  	_ =	swait.ge [sflag:s5], $0x4F0  }
0x17: {  	[sflag:s5] =	ssyncset.done $0x0  }
0x18: {  	[sflag:s5] =	ssyncadd.s32 $0xFFFFFB10  }
0x19: {  	s14 =	simm.s32 $0x800;
	s15 =	simm.s32 $0x5000;
	[bflag:$0x0] =	sbarrier.arrive $0xFFFF  }
0x1a: {  	[tilespmem:s15], [sflag:$0x1] =	stream.indirect.gather [spmem:s2], $0x10, s4, s14, $0xb8;
	[tilespmem:$0x19F00] =	vst v63  }
0x1b: {  	s16 =	simm.s32 $0xD000;
	s17 =	simm.s32 $0x1  }
0x1c: {  	[tilespmem:s16], [sflag:$0x2] =	stream.indirect.gather [spmem:s2], $0x10, s14, s14, $0xb8;
	[tilespmem:$0x19F00] =	vst v63  }
0x1d: {  	_ =	swait.ge [sflag:s17], $0x8000  }
0x1e: {  	[sflag:s17] =	ssyncset.done $0x0  }
0x1f: {  	s18 =	simm.s32 $0x2;
	[sflag:s17] =	ssyncadd.s32 $0xFFFF8000  }
0x20: {  	[spmem:s3] =	stream.indirect.scatter.add.f32 [tilespmem:s15], [sflag:$0x3], $0x10, s8, s14, $0xb8;
	[tilespmem:$0x19F00] =	vst v63  }
0x21: {  	_ =	swait.ge [sflag:s18], $0x8000  }
0x22: {  	[sflag:s18] =	ssyncset.done $0x0  }
0x23: {  	s19 =	simm.s32 $0x3000;
	s20 =	simm.s32 $0x3;
	[sflag:s18] =	ssyncadd.s32 $0xFFFF8000  }
0x24: {  	[spmem:s3] =	stream.indirect.scatter.add.f32 [tilespmem:s16], [sflag:$0x4], $0x10, s19, s14, $0xb8;
	[tilespmem:$0x19F00] =	vst v63  }
0x25: {  	_ =	swait.ge [sflag:s20], $0x8000  }
0x26: {  	[sflag:s20] =	ssyncset.done $0x0  }
0x27: {  	s21 =	simm.s32 $0x1000;
	[sflag:s20] =	ssyncadd.s32 $0xFFFF8000  }
0x28: {  	[tilespmem:s15], [sflag:$0x1] =	stream.indirect.gather [spmem:s2], $0x10, s21, s14, $0xb8;
	[tilespmem:$0x19F00] =	vst v63  }
0x29: {  	_ =	swait.ge [sflag:s17], $0x8000  }
0x2a: {  	[sflag:s17] =	ssyncset.done $0x0  }
0x2b: {  	s22 =	simm.s32 $0x3800;
	s23 =	simm.s32 $0x4;
	[sflag:s17] =	ssyncadd.s32 $0xFFFF8000  }
0x2c: {  	[spmem:s3] =	stream.indirect.scatter.add.f32 [tilespmem:s15], [sflag:$0x3], $0x10, s22, s14, $0xb8;
	[tilespmem:$0x19F00] =	vst v63  }
0x2d: {  	_ =	swait.ge [sflag:s23], $0x8000  }
0x2e: {  	[sflag:s23] =	ssyncset.done $0x0  }
0x2f: {  	s24 =	simm.s32 $0x1800;
	[sflag:s23] =	ssyncadd.s32 $0xFFFF8000  }
0x30: {  	[tilespmem:s16], [sflag:$0x2] =	stream.indirect.gather [spmem:s2], $0x10, s24, s14, $0xb8;
	[tilespmem:$0x19F00] =	vst v63  }
0x31: {  	_ =	swait.ge [sflag:s18], $0x8000  }
0x32: {  	[sflag:s18] =	ssyncset.done $0x0  }
0x33: {  	s25 =	simm.s32 $0x4000;
	[sflag:s18] =	ssyncadd.s32 $0xFFFF8000  }
0x34: {  	[spmem:s3] =	stream.indirect.scatter.add.f32 [tilespmem:s16], [sflag:$0x4], $0x10, s25, s14, $0xb8;
	[tilespmem:$0x19F00] =	vst v63  }
0x35: {  	_ =	swait.ge [sflag:s20], $0x8000  }
0x36: {  	[sflag:s20] =	ssyncset.done $0x0  }
0x37: {  	s26 =	simm.s32 $0x2000;
	[sflag:s20] =	ssyncadd.s32 $0xFFFF8000  }
0x38: {  	[tilespmem:s15], [sflag:$0x1] =	stream.indirect.gather [spmem:s2], $0x10, s26, s14, $0xb8;
	[tilespmem:$0x19F00] =	vst v63  }
0x39: {  	_ =	swait.ge [sflag:s17], $0x8000  }
0x3a: {  	[sflag:s17] =	ssyncset.done $0x0  }
0x3b: {  	s28 =	simm.s32 $0x4800;
	s1 =	smul.u32 $0x27800, s30;
	[sflag:s17] =	ssyncadd.s32 $0xFFFF8000  }
0x3c: {  	[spmem:s3] =	stream.indirect.scatter.add.f32 [tilespmem:s15], [sflag:$0x3], $0x10, s28, s14, $0xb8;
	[tilespmem:$0x19F00] =	vst v63  }
0x3d: {  	s30 =	ssub.s32 $0x2, s30;
	_ =	swait.ge [sflag:s23], $0x8000  }
0x3e: {  	s1 =	sadd.s32 s31, s1;
	s31 =	sshrl.u32 s30, $0x1;
	[sflag:s23] =	ssyncset.done $0x0  }
0x3f: {  	s30 =	ssub.s32 s30, s31;
	[sflag:s23] =	ssyncadd.s32 $0xFFFF8000  }
0x40: {  	s31 =	smax.u32 s30, $0x1;
	_ =	swait.ge [sflag:s20], $0x8000  }
0x41: {  	s1 =	sshrl.u32 s1, $0x3;
	p0 =	sne.s32 s31, $0x1;
	[sflag:s20] =	ssyncset.done $0x0  }
.Ltmp0:
0x42: {  	s1 =	sadd.s32 s1, s29;
	[sflag:s20] =	ssyncadd.s32 $0xFFFF8000;
	(pc) =	sbr.rel @!p0 .LBB2_2-.Ltmp0, $4  }
0x43: {  	s29 =	sadd.s32 $0x21200, s1;
	[bflag:$0x0] =	sbarrier.arrive $0xFFFF  }
0x44: {  	[hbm:s29], [sflag:s10] =	dma.local [spmem:s13], $0x4F0  }
0x45: {  	_ =	swait.ge [sflag:s5], $0x4F0  }
0x46: {  	s30 =	sadd.s32 $0xFFFFFFFF, s31;
	[sflag:s5] =	ssyncset.done $0x0  }
.LBB2_1:
0x47: {  	p0 =	sne.s32 s30, $0x1;
	s30 =	sadd.s32 $0xFFFFFFFF, s30;
	[sflag:s5] =	ssyncadd.s32 $0xFFFFFB10  }
0x48: {  	[tilespmem:s4], [sflag:$0x5] =	stream.linear.gather [hbm4b:s6+s4], $0x2800, $0x38;
	[tilespmem:$0x19F00] =	vst v63  }
0x49: {  	_ =	swait.ge [sflag:s5], $0x2800  }
0x4a: {  	[sflag:s5] =	ssyncset.done $0x0  }
0x4b: {  	[sflag:s5] =	ssyncadd.s32 $0xFFFFD800  }
0x4c: {  	[tilespmem:s8], [sflag:$0x5] =	stream.linear.gather [hbm4b:s7+s4], $0x2800, $0x38;
	[tilespmem:$0x19F00] =	vst v63  }
0x4d: {  	_ =	swait.ge [sflag:s5], $0x2800  }
0x4e: {  	[sflag:s5] =	ssyncset.done $0x0  }
0x4f: {  	[sflag:s5] =	ssyncadd.s32 $0xFFFFD800  }
0x50: {  	[spmem:s11], [sflag:s10] =	dma.local [hbm:s9], $0x4F0  }
0x51: {  	_ =	swait.ge [sflag:s5], $0x4F0  }
0x52: {  	[sflag:s5] =	ssyncset.done $0x0  }
0x53: {  	[sflag:s5] =	ssyncadd.s32 $0xFFFFFB10  }
0x54: {  	[spmem:s13], [sflag:s10] =	dma.local [hbm:s12], $0x4F0  }
0x55: {  	_ =	swait.ge [sflag:s5], $0x4F0  }
0x56: {  	[sflag:s5] =	ssyncset.done $0x0  }
0x57: {  	[sflag:s5] =	ssyncadd.s32 $0xFFFFFB10  }
0x58: {  	[bflag:$0x0] =	sbarrier.arrive $0xFFFF  }
0x59: {  	[tilespmem:s15], [sflag:$0x1] =	stream.indirect.gather [spmem:s2], $0x10, s4, s14, $0xb8;
	[tilespmem:$0x19F00] =	vst v63  }
0x5a: {  	_ = 	snop  }
0x5b: {  	[tilespmem:s16], [sflag:$0x2] =	stream.indirect.gather [spmem:s2], $0x10, s14, s14, $0xb8;
	[tilespmem:$0x19F00] =	vst v63  }
0x5c: {  	_ =	swait.ge [sflag:s17], $0x8000  }
0x5d: {  	[sflag:s17] =	ssyncset.done $0x0  }
0x5e: {  	[sflag:s17] =	ssyncadd.s32 $0xFFFF8000  }
0x5f: {  	[spmem:s3] =	stream.indirect.scatter.add.f32 [tilespmem:s15], [sflag:$0x3], $0x10, s8, s14, $0xb8;
	[tilespmem:$0x19F00] =	vst v63  }
0x60: {  	_ =	swait.ge [sflag:s18], $0x8000  }
0x61: {  	[sflag:s18] =	ssyncset.done $0x0  }
0x62: {  	[sflag:s18] =	ssyncadd.s32 $0xFFFF8000  }
0x63: {  	[spmem:s3] =	stream.indirect.scatter.add.f32 [tilespmem:s16], [sflag:$0x4], $0x10, s19, s14, $0xb8;
	[tilespmem:$0x19F00] =	vst v63  }
0x64: {  	_ =	swait.ge [sflag:s20], $0x8000  }
0x65: {  	[sflag:s20] =	ssyncset.done $0x0  }
0x66: {  	[sflag:s20] =	ssyncadd.s32 $0xFFFF8000  }
0x67: {  	[tilespmem:s15], [sflag:$0x1] =	stream.indirect.gather [spmem:s2], $0x10, s21, s14, $0xb8;
	[tilespmem:$0x19F00] =	vst v63  }
0x68: {  	_ =	swait.ge [sflag:s17], $0x8000  }
0x69: {  	[sflag:s17] =	ssyncset.done $0x0  }
0x6a: {  	[sflag:s17] =	ssyncadd.s32 $0xFFFF8000  }
0x6b: {  	[spmem:s3] =	stream.indirect.scatter.add.f32 [tilespmem:s15], [sflag:$0x3], $0x10, s22, s14, $0xb8;
	[tilespmem:$0x19F00] =	vst v63  }
0x6c: {  	_ =	swait.ge [sflag:s23], $0x8000  }
0x6d: {  	[sflag:s23] =	ssyncset.done $0x0  }
0x6e: {  	[sflag:s23] =	ssyncadd.s32 $0xFFFF8000  }
0x6f: {  	[tilespmem:s16], [sflag:$0x2] =	stream.indirect.gather [spmem:s2], $0x10, s24, s14, $0xb8;
	[tilespmem:$0x19F00] =	vst v63  }
0x70: {  	_ =	swait.ge [sflag:s18], $0x8000  }
0x71: {  	[sflag:s18] =	ssyncset.done $0x0  }
0x72: {  	[sflag:s18] =	ssyncadd.s32 $0xFFFF8000  }
0x73: {  	[spmem:s3] =	stream.indirect.scatter.add.f32 [tilespmem:s16], [sflag:$0x4], $0x10, s25, s14, $0xb8;
	[tilespmem:$0x19F00] =	vst v63  }
0x74: {  	_ =	swait.ge [sflag:s20], $0x8000  }
0x75: {  	[sflag:s20] =	ssyncset.done $0x0  }
0x76: {  	[sflag:s20] =	ssyncadd.s32 $0xFFFF8000  }
0x77: {  	[tilespmem:s15], [sflag:$0x1] =	stream.indirect.gather [spmem:s2], $0x10, s26, s14, $0xb8;
	[tilespmem:$0x19F00] =	vst v63  }
0x78: {  	_ =	swait.ge [sflag:s17], $0x8000  }
0x79: {  	[sflag:s17] =	ssyncset.done $0x0  }
0x7a: {  	[sflag:s17] =	ssyncadd.s32 $0xFFFF8000  }
0x7b: {  	[spmem:s3] =	stream.indirect.scatter.add.f32 [tilespmem:s15], [sflag:$0x3], $0x10, s28, s14, $0xb8;
	[tilespmem:$0x19F00] =	vst v63  }
0x7c: {  	_ =	swait.ge [sflag:s23], $0x8000  }
0x7d: {  	[sflag:s23] =	ssyncset.done $0x0  }
0x7e: {  	[sflag:s23] =	ssyncadd.s32 $0xFFFF8000  }
0x7f: {  	_ =	swait.ge [sflag:s20], $0x8000  }
0x80: {  	[sflag:s20] =	ssyncset.done $0x0  }
.Ltmp1:
0x81: {  	[sflag:s20] =	ssyncadd.s32 $0xFFFF8000;
	(pc) =	sbr.rel @p0 .LBB2_1-.Ltmp1, $4  }
0x82: {  	[bflag:$0x0] =	sbarrier.arrive $0xFFFF  }
0x83: {  	[hbm:s29], [sflag:s10] =	dma.local [spmem:s13], $0x4F0  }
0x84: {  	_ =	swait.ge [sflag:s5], $0x4F0  }
0x85: {  	[sflag:s5] =	ssyncset.done $0x0  }
.LBB2_2:
0x86: {  	[sflag:s5] =	ssyncadd.s32 $0xFFFFFB10  }
0x87: {  	_ =	sfence.sel $0x180000  }
0x88: {  	[bflag:$0x0] =	sbarrier.arrive $0xFFFF  }
0x89: {  	_ =	strace $0x9000004D  }
0x8a: {  	[bflag:$0x2] =	sbarrier.arrive $0xFFFF  }
0x8b: {  	p0 =	sne.s32 s0, $0x0;
	s0 =	rddreg [dreg:$0x3]  }
0x8c: {  	s0 =	sadd.s32 @!p0 $0x100000, s0  }
0x8d: {  	[sflag:s0] =	ssyncadd.tile.s32 @!p0 $0x1;
	_ =	shalt  }
.Lfunc_end2:
_tile_overlayer_lowered:
.L_overlay_start_2:
0x8e: {  	(tag) =	ssettag $0x2  }
0x8f: {  	s0 =	rddreg [dreg:$0x0];
	s2 =	stileid.u32  }
0x90: {  	s1 =	rddreg [dreg:$0x1];
	p0 =	sne.s32 s2, $0x0  }
0x91: {  	s3 =	rddreg [dreg:$0x2];
	[bflag:$0x3] =	sbarrier.arrive $0xFFFF;
	s2 =	simm.s32 @!p0 $0x1C05  }
0x92: {  	[timem:s3], [sflag:s2] =	dma.local @!p0 [hbm:s0], s1  }
0x93: {  	s0 =	simm.s32 @!p0 $0x5  }
0x94: {  	_ =	swait.ge @!p0 [sflag:s0], s1  }
0x95: {  	s1 =	ssub.s32 @!p0 $0x0, s1;
	[sflag:s0] =	ssyncset.done @!p0 $0x0  }
0x96: {  	[sflag:s0] =	ssyncadd.s32 @!p0 s1  }
0x97: {  	[bflag:$0x3] =	sbarrier.arrive $0xFFFF  }
0x98: {  	_ =	shalt  }

</sc_bundles>
